<compile_context>
chip_gen: v7x
topology: tpu7x:2x2x1
jax: 0.10.2.dev20260603
libtpu: 0.0.44.dev20260713+nightly
codegen_flags: <defaults>
</compile_context>

<pallas_src>
import functools

import jax
import jax.numpy as jnp
from jax import lax
from jax.experimental import pallas as pl
from jax.experimental.pallas import tpu as pltpu
from jax.experimental.pallas import tpu_sc as plsc

N_NODES = 10000
N_EDGES = 320000
D = 128

NC = 2
NS = 16
NW = NC * NS
EPT = N_EDGES // NW
CHUNK = 80
NCHUNK = EPT // CHUNK
BASE_ROWS = 624
ZROWS = 160

ROWBLK = 10000
GRID = N_NODES // ROWBLK

_mesh = plsc.VectorSubcoreMesh(core_axis_name="c", subcore_axis_name="s")


@functools.partial(
    pl.kernel,
    out_type=jax.ShapeDtypeStruct((NW, N_NODES), jnp.float32),
    mesh=_mesh,
    compiler_params=pltpu.CompilerParams(needs_layout_passes=False),
    scratch_types=[
        pltpu.VMEM((EPT,), jnp.int32),
        pltpu.VMEM((N_NODES,), jnp.float32),
    ],
)
def _deg_kernel(dst_hbm, out_hbm, dst_v, deg_v):
    c = lax.axis_index("c")
    s = lax.axis_index("s")
    wid = c * NS + s

    zeros16 = jnp.zeros((16,), jnp.float32)

    def zero_body(i, carry):
        deg_v[pl.ds(i * 16, 16)] = zeros16
        return carry

    lax.fori_loop(0, N_NODES // 16, zero_body, 0)

    pltpu.sync_copy(dst_hbm.at[wid], dst_v)

    ones16 = jnp.full((16,), 1.0, jnp.float32)

    def body(i, carry):
        idx = dst_v[pl.ds(i * 16, 16)]
        plsc.addupdate_scatter(deg_v, [idx], ones16)
        return carry

    lax.fori_loop(0, EPT // 16, body, 0)

    pltpu.sync_copy(deg_v, out_hbm.at[wid])


@functools.partial(
    pl.kernel,
    out_type=jax.ShapeDtypeStruct((NC, N_NODES, D), jnp.float32),
    mesh=_mesh,
    compiler_params=pltpu.CompilerParams(needs_layout_passes=False),
    scratch_types=[
        pltpu.VMEM((4, CHUNK), jnp.int32),
        pltpu.VMEM((4, CHUNK), jnp.int32),
        pltpu.VMEM((4, CHUNK, D), jnp.float32),
        pltpu.VMEM_SHARED((N_NODES, D), jnp.float32),
        pltpu.SemaphoreType.DMA,
        pltpu.SemaphoreType.DMA,
        pltpu.SemaphoreType.DMA,
        pltpu.SemaphoreType.DMA,
    ],
)
def _edge_kernel(src_hbm, dst_hbm, y_hbm, out_hbm,
                 srci, dsti, rows_v, accum, gsem, isem, jsem, ssem):
    c = lax.axis_index("c")
    s = lax.axis_index("s")
    wid = c * NS + s

    pltpu.async_copy(src_hbm.at[wid, 0], srci.at[2], isem)
    pltpu.async_copy(src_hbm.at[wid, 1], srci.at[3], isem)
    pltpu.async_copy(src_hbm.at[wid, 2], srci.at[0], isem)
    pltpu.async_copy(dst_hbm.at[wid, 0], dsti.at[2], jsem)
    pltpu.async_copy(dst_hbm.at[wid, 1], dsti.at[3], jsem)

    pltpu.make_async_copy(src_hbm.at[wid, 0], srci.at[2], isem).wait()
    pltpu.async_copy(y_hbm.at[srci.at[2]], rows_v.at[2], gsem)
    pltpu.make_async_copy(src_hbm.at[wid, 1], srci.at[3], isem).wait()
    pltpu.async_copy(y_hbm.at[srci.at[3]], rows_v.at[3], gsem)

    zeros16 = jnp.zeros((16,), jnp.float32)

    def zb(i, carry):
        rows_v[0, i // 8, pl.ds((i % 8) * 16, 16)] = zeros16
        return carry

    lax.fori_loop(0, CHUNK * 8, zb, 0)

    zrows = rows_v.at[0]
    start = BASE_ROWS * s + 16 * jnp.minimum(s, 1)
    for j in range(BASE_ROWS // CHUNK):
        off = pl.multiple_of(start + j * CHUNK, 8)
        pltpu.sync_copy(zrows, accum.at[pl.ds(off, CHUNK)])
    off64 = pl.multiple_of(start + (BASE_ROWS // CHUNK) * CHUNK, 8)
    pltpu.sync_copy(zrows.at[pl.ds(0, BASE_ROWS % CHUNK)],
                    accum.at[pl.ds(off64, BASE_ROWS % CHUNK)])

    @pl.when(s < 1)
    def _zero_extra():
        off = pl.multiple_of(start + BASE_ROWS, 16)
        pltpu.sync_copy(zrows.at[pl.ds(0, 16)], accum.at[pl.ds(off, 16)])

    plsc.subcore_barrier()

    def body(k, carry):
        b0 = lax.rem(k + 2, 4)
        b2 = lax.rem(k, 4)

        @pl.when(k >= 2)
        def _drain():
            pltpu.make_async_copy(
                rows_v.at[b2], accum.at[dsti.at[b2]], ssem).wait()

        @pl.when(k + 2 < NCHUNK)
        def _next_gather():
            pltpu.make_async_copy(src_hbm.at[wid, k + 2], srci.at[b2],
                                  isem).wait()
            pltpu.async_copy(y_hbm.at[srci.at[b2]], rows_v.at[b2], gsem)
            pltpu.async_copy(dst_hbm.at[wid, k + 2], dsti.at[b2], jsem)

        @pl.when(k + 3 < NCHUNK)
        def _next_srci():
            pltpu.async_copy(src_hbm.at[wid, k + 3], srci.at[lax.rem(k + 1, 4)],
                             isem)

        pltpu.make_async_copy(y_hbm.at[srci.at[b0]], rows_v.at[b0], gsem).wait()
        pltpu.make_async_copy(dst_hbm.at[wid, k], dsti.at[b0], jsem).wait()
        pltpu.async_copy(rows_v.at[b0], accum.at[dsti.at[b0]], ssem, add=True)
        return carry

    lax.fori_loop(0, NCHUNK, body, 0)

    for k in (NCHUNK - 2, NCHUNK - 1):
        b = (k + 2) % 4
        pltpu.make_async_copy(rows_v.at[b], accum.at[dsti.at[b]], ssem).wait()
    plsc.subcore_barrier()

    off0 = pl.multiple_of(start, 16)
    pltpu.sync_copy(accum.at[pl.ds(off0, BASE_ROWS)],
                    out_hbm.at[c, pl.ds(off0, BASE_ROWS)])

    @pl.when(s < 1)
    def _write_extra():
        off = pl.multiple_of(start + BASE_ROWS, 16)
        pltpu.sync_copy(accum.at[pl.ds(off, 16)],
                        out_hbm.at[c, pl.ds(off, 16)])


def _xw_body(x_ref, w_ref, xw_ref):
    xw_ref[...] = jnp.dot(x_ref[...], w_ref[...],
                          preferred_element_type=jnp.float32)


def _xw_call(x, W):
    return pl.pallas_call(
        _xw_body,
        grid=(GRID,),
        in_specs=[
            pl.BlockSpec((ROWBLK, D), lambda i: (i, 0)),
            pl.BlockSpec((D, D), lambda i: (0, 0)),
        ],
        out_specs=pl.BlockSpec((ROWBLK, D), lambda i: (i, 0)),
        out_shape=jax.ShapeDtypeStruct((N_NODES, D), jnp.float32),
    )(x, W)


def _scale_body(xw_ref, dis_ref, y_ref):
    y_ref[...] = xw_ref[...] * dis_ref[...]


def _scale_call(xw, dis):
    return pl.pallas_call(
        _scale_body,
        grid=(GRID,),
        in_specs=[
            pl.BlockSpec((ROWBLK, D), lambda i: (i, 0)),
            pl.BlockSpec((ROWBLK, 1), lambda i: (i, 0)),
        ],
        out_specs=pl.BlockSpec((ROWBLK, D), lambda i: (i, 0)),
        out_shape=jax.ShapeDtypeStruct((N_NODES, D), jnp.float32),
    )(xw, dis)


def _fin_body(q_ref, y_ref, dis_ref, b_ref, o_ref):
    t = q_ref[0] + q_ref[1] + y_ref[...]
    o_ref[...] = jnp.maximum(t * dis_ref[...] + b_ref[...], 0.0)


def _fin_call(q, y, dis, b2):
    return pl.pallas_call(
        _fin_body,
        grid=(GRID,),
        in_specs=[
            pl.BlockSpec((NC, ROWBLK, D), lambda i: (0, i, 0)),
            pl.BlockSpec((ROWBLK, D), lambda i: (i, 0)),
            pl.BlockSpec((ROWBLK, 1), lambda i: (i, 0)),
            pl.BlockSpec((1, D), lambda i: (0, 0)),
        ],
        out_specs=pl.BlockSpec((ROWBLK, D), lambda i: (i, 0)),
        out_shape=jax.ShapeDtypeStruct((N_NODES, D), jnp.float32),
    )(q, y, dis, b2)


def kernel(x, edge_index, W, b):
    src = edge_index[0].astype(jnp.int32)
    dst = edge_index[1].astype(jnp.int32)
    src3 = src.reshape(NW, NCHUNK, CHUNK)
    dst3 = dst.reshape(NW, NCHUNK, CHUNK)
    dst2 = dst.reshape(NW, EPT)

    xw = _xw_call(x, W)
    degp = _deg_kernel(dst2)
    dis = lax.rsqrt(jnp.sum(degp, axis=0) + 1.0).reshape(N_NODES, 1)
    y = _scale_call(xw, dis)
    q = _edge_kernel(src3, dst3, y)
    out = _fin_call(q, y, dis, b.reshape(1, D))
    return out

# --- scband reference (transcript-rebuilt; emitter-appended) ---
"""Pipeline reference for scband-gcn-790273982476 (READ-ONLY COPY).

The authoritative reference and input builder live on the scoring server;
editing this copy changes nothing except your own understanding.
"""

import jax, jax.numpy as jnp
import numpy as np

N_NODES = 10000
N_EDGES = 320000
D_IN = 128
D_OUT = 128

def setup_inputs(seed: int = 0) -> dict:
    key = jax.random.key(seed)
    k1, k2, k3, k4 = jax.random.split(key, 4)
    x = jax.random.normal(k1, (N_NODES, D_IN), dtype=jnp.float32)
    edge_index = jax.random.randint(k2, (2, N_EDGES), 0, N_NODES, dtype=jnp.int64)
    # GCNConv learned parameters (glorot-style scale)
    W = jax.random.normal(k3, (D_IN, D_OUT), dtype=jnp.float32) * (1.0 / np.sqrt(D_IN))
    b = jnp.zeros((D_OUT,), dtype=jnp.float32)
    return {"x": x, "edge_index": edge_index, "W": W, "b": b}


def gcn_conv(x, edge_index, W, b):
    # Standard GCNConv: out = D^{-1/2} (A + I) D^{-1/2} X W + b
    N = x.shape[0]
    src = edge_index[0]
    dst = edge_index[1]
    loop = jnp.arange(N, dtype=src.dtype)
    src = jnp.concatenate([src, loop])
    dst = jnp.concatenate([dst, loop])
    deg = jnp.zeros((N,), dtype=x.dtype).at[dst].add(1.0)
    deg_inv_sqrt = jnp.where(deg > 0, jax.lax.rsqrt(jnp.maximum(deg, 1e-12)), 0.0)
    norm = deg_inv_sqrt[src] * deg_inv_sqrt[dst]
    xw = x @ W
    msg = xw[src] * norm[:, None]
    out = jnp.zeros((N, W.shape[1]), dtype=x.dtype).at[dst].add(msg)
    return out + b


def reference(x, edge_index, W, b):
    # GCN stack interpreted as: for each consecutive channel pair -> GCNConv + ReLU
    # channels = [128, 128] -> one GCNConv(128, 128) followed by ReLU
    h = gcn_conv(x, edge_index, W, b)
    h = jax.nn.relu(h)
    return h

if __name__ == "__main__":
    import jax
    _d = setup_inputs()
    print(jax.jit(kernel)(*tuple(_d.values())))

</pallas_src>

<mosaic_0001>
#map = affine_map<(d0, d1) -> (0, 0)>
module attributes {stable_mosaic.version = 14 : i64} {
  func.func @_deg_kernel(%arg0: i32, %arg1: i32, %arg2: memref<32x10000xi32, #tpu.memory_space<hbm>>, %arg3: memref<32x10000xf32, #tpu.memory_space<hbm>>, %arg4: memref<10000xi32, #tpu.memory_space<vmem>>, %arg5: memref<10000xf32, #tpu.memory_space<vmem>>) attributes {dimension_semantics = [#tpu.dimension_semantics<core_parallel>, #tpu.dimension_semantics<subcore_parallel>], iteration_bounds = array<i64: 2, 16>, scalar_prefetch = 0 : i64, scratch_operands = 2 : i64, tpu.core_type = #tpu.core_type<sc_vector_subcore>, window_params = [{transform_indices = #map}, {transform_indices = #map}]} {
    %mul3A = arith.constant 16 : i32
    %mul3A_0 = arith.muli %arg0, %mul3A : i32
    %add3A = arith.addi %mul3A_0, %arg1 : i32
    %broadcast_in_dim3A = arith.constant 0.000000e+00 : f32
    %broadcast_in_dim3A_1 = vector.broadcast %broadcast_in_dim3A : f32 to vector<16xf32>
    %scan3A = arith.constant 0 : i32
    %scan3A_2 = arith.constant 0 : i32
    %scan3A_3 = arith.constant 625 : i32
    %scan3A_4 = arith.addi %scan3A_2, %scan3A_3 : i32
    %scan3A_5 = arith.constant 1 : i32
    scf.for %scan3A_15 = %scan3A_2 to %scan3A_4 step %scan3A_5  : i32 {
      %mul3A_16 = arith.constant 16 : i32
      %mul3A_17 = arith.muli %scan3A_15, %mul3A_16 : i32
      %swap3A = arith.index_cast %mul3A_17 : i32 to index
      %swap3A_18 = tpu.vector_load %arg5[%swap3A] {strides = array<i32>} : memref<10000xf32, #tpu.memory_space<vmem>>, vector<16xf32>,
      tpu.vector_store %arg5[%swap3A], %broadcast_in_dim3A_1 {strides = array<i32>} : memref<10000xf32, #tpu.memory_space<vmem>>, vector<16xf32>,
    }
    %scan3A_6 = arith.constant 625 : i32
    "tpu.region"() ({
      %run_scoped3A = tpu.sem_alloc : memref<!tpu.dma_semaphore, #tpu.memory_space<semaphore_mem>>
      %dma_start3A = arith.constant 0 : i32
      %dma_start3A_15 = tpu.memref_slice %arg2[%add3A, %dma_start3A] : memref<32x10000xi32, #tpu.memory_space<hbm>> -> memref<1x10000xi32, #tpu.memory_space<hbm>>
      %dma_start3A_16 = tpu.memref_squeeze %dma_start3A_15 : memref<1x10000xi32, #tpu.memory_space<hbm>> -> memref<10000xi32, #tpu.memory_space<hbm>>
      %dma_start3A_17 = arith.constant 0 : i32
      %dma_start3A_18 = tpu.memref_slice %arg2[%add3A, %dma_start3A_17] : memref<32x10000xi32, #tpu.memory_space<hbm>> -> memref<1x10000xi32, #tpu.memory_space<hbm>>
      %dma_start3A_19 = tpu.memref_squeeze %dma_start3A_18 : memref<1x10000xi32, #tpu.memory_space<hbm>> -> memref<10000xi32, #tpu.memory_space<hbm>>
      tpu.enqueue_dma source(%dma_start3A_19 : memref<10000xi32, #tpu.memory_space<hbm>>) target(%arg4 : memref<10000xi32, #tpu.memory_space<vmem>>) target_semaphore(%run_scoped3A : memref<!tpu.dma_semaphore, #tpu.memory_space<semaphore_mem>>)
      %dma_wait3A = arith.constant 0 : i32
      %dma_wait3A_20 = tpu.memref_slice %arg2[%add3A, %dma_wait3A] : memref<32x10000xi32, #tpu.memory_space<hbm>> -> memref<1x10000xi32, #tpu.memory_space<hbm>>
      %dma_wait3A_21 = tpu.memref_squeeze %dma_wait3A_20 : memref<1x10000xi32, #tpu.memory_space<hbm>> -> memref<10000xi32, #tpu.memory_space<hbm>>
      %dma_wait3A_22 = arith.constant 0 : i32
      %dma_wait3A_23 = tpu.memref_slice %arg2[%add3A, %dma_wait3A_22] : memref<32x10000xi32, #tpu.memory_space<hbm>> -> memref<1x10000xi32, #tpu.memory_space<hbm>>
      %dma_wait3A_24 = tpu.memref_squeeze %dma_wait3A_23 : memref<1x10000xi32, #tpu.memory_space<hbm>> -> memref<10000xi32, #tpu.memory_space<hbm>>
      tpu.wait_dma2 semaphore(%run_scoped3A : memref<!tpu.dma_semaphore, #tpu.memory_space<semaphore_mem>>) src(%dma_wait3A_24 : memref<10000xi32, #tpu.memory_space<hbm>>) dst(%arg4 : memref<10000xi32, #tpu.memory_space<vmem>>)
      tpu.yield
    }) : () -> ()
    %broadcast_in_dim3A_7 = arith.constant 1.000000e+00 : f32
    %broadcast_in_dim3A_8 = vector.broadcast %broadcast_in_dim3A_7 : f32 to vector<16xf32>
    %scan3A_9 = arith.constant 0 : i32
    %scan3A_10 = arith.constant 0 : i32
    %scan3A_11 = arith.constant 625 : i32
    %scan3A_12 = arith.addi %scan3A_10, %scan3A_11 : i32
    %scan3A_13 = arith.constant 1 : i32
    scf.for %scan3A_15 = %scan3A_10 to %scan3A_12 step %scan3A_13  : i32 {
      %mul3A_16 = arith.constant 16 : i32
      %mul3A_17 = arith.muli %scan3A_15, %mul3A_16 : i32
      %get3A = arith.index_cast %mul3A_17 : i32 to index
      %get3A_18 = tpu.vector_load %arg4[%get3A] {strides = array<i32>} : memref<10000xi32, #tpu.memory_space<vmem>>, vector<16xi32>,
      tpu.vector_store_idx %arg5[%get3A_18], %broadcast_in_dim3A_8 {add = true} : memref<10000xf32, #tpu.memory_space<vmem>>[vector<16xi32>], vector<16xf32>,
    }
    %scan3A_14 = arith.constant 625 : i32
    "tpu.region"() ({
      %run_scoped3A = tpu.sem_alloc : memref<!tpu.dma_semaphore, #tpu.memory_space<semaphore_mem>>
      %dma_start3A = arith.constant 0 : i32
      %dma_start3A_15 = tpu.memref_slice %arg3[%add3A, %dma_start3A] : memref<32x10000xf32, #tpu.memory_space<hbm>> -> memref<1x10000xf32, #tpu.memory_space<hbm>>
      %dma_start3A_16 = tpu.memref_squeeze %dma_start3A_15 : memref<1x10000xf32, #tpu.memory_space<hbm>> -> memref<10000xf32, #tpu.memory_space<hbm>>
      %dma_start3A_17 = arith.constant 0 : i32
      %dma_start3A_18 = tpu.memref_slice %arg3[%add3A, %dma_start3A_17] : memref<32x10000xf32, #tpu.memory_space<hbm>> -> memref<1x10000xf32, #tpu.memory_space<hbm>>
      %dma_start3A_19 = tpu.memref_squeeze %dma_start3A_18 : memref<1x10000xf32, #tpu.memory_space<hbm>> -> memref<10000xf32, #tpu.memory_space<hbm>>
      tpu.enqueue_dma source(%arg5 : memref<10000xf32, #tpu.memory_space<vmem>>) target(%dma_start3A_19 : memref<10000xf32, #tpu.memory_space<hbm>>) target_semaphore(%run_scoped3A : memref<!tpu.dma_semaphore, #tpu.memory_space<semaphore_mem>>)
      %dma_wait3A = arith.constant 0 : i32
      %dma_wait3A_20 = tpu.memref_slice %arg3[%add3A, %dma_wait3A] : memref<32x10000xf32, #tpu.memory_space<hbm>> -> memref<1x10000xf32, #tpu.memory_space<hbm>>
      %dma_wait3A_21 = tpu.memref_squeeze %dma_wait3A_20 : memref<1x10000xf32, #tpu.memory_space<hbm>> -> memref<10000xf32, #tpu.memory_space<hbm>>
      %dma_wait3A_22 = arith.constant 0 : i32
      %dma_wait3A_23 = tpu.memref_slice %arg3[%add3A, %dma_wait3A_22] : memref<32x10000xf32, #tpu.memory_space<hbm>> -> memref<1x10000xf32, #tpu.memory_space<hbm>>
      %dma_wait3A_24 = tpu.memref_squeeze %dma_wait3A_23 : memref<1x10000xf32, #tpu.memory_space<hbm>> -> memref<10000xf32, #tpu.memory_space<hbm>>
      tpu.wait_dma2 semaphore(%run_scoped3A : memref<!tpu.dma_semaphore, #tpu.memory_space<semaphore_mem>>) src(%arg5 : memref<10000xf32, #tpu.memory_space<vmem>>) dst(%dma_wait3A_24 : memref<10000xf32, #tpu.memory_space<hbm>>)
      tpu.yield
    }) : () -> ()
    return
  }
}

#map = affine_map<(d0, d1) -> (0, 0, 0)>
#map1 = affine_map<(d0, d1) -> (0, 0)>
module attributes {stable_mosaic.version = 14 : i64} {
  func.func @_edge_kernel(%arg0: i32, %arg1: i32, %arg2: memref<32x125x80xi32, #tpu.memory_space<hbm>>, %arg3: memref<32x125x80xi32, #tpu.memory_space<hbm>>, %arg4: memref<10000x128xf32, #tpu.memory_space<hbm>>, %arg5: memref<2x10000x128xf32, #tpu.memory_space<hbm>>, %arg6: memref<4x80xi32, #tpu.memory_space<vmem>>, %arg7: memref<4x80xi32, #tpu.memory_space<vmem>>, %arg8: memref<4x80x128xf32, #tpu.memory_space<vmem>>, %arg9: memref<10000x128xf32, #tpu.memory_space<vmem_shared>>, %arg10: memref<!tpu.dma_semaphore, #tpu.memory_space<semaphore_mem>>, %arg11: memref<!tpu.dma_semaphore, #tpu.memory_space<semaphore_mem>>, %arg12: memref<!tpu.dma_semaphore, #tpu.memory_space<semaphore_mem>>, %arg13: memref<!tpu.dma_semaphore, #tpu.memory_space<semaphore_mem>>) attributes {dimension_semantics = [#tpu.dimension_semantics<core_parallel>, #tpu.dimension_semantics<subcore_parallel>], iteration_bounds = array<i64: 2, 16>, scalar_prefetch = 0 : i64, scratch_operands = 8 : i64, tpu.core_type = #tpu.core_type<sc_vector_subcore>, window_params = [{transform_indices = #map}, {transform_indices = #map}, {transform_indices = #map1}, {transform_indices = #map}]} {
    %mul3A = arith.constant 16 : i32
    %mul3A_0 = arith.muli %arg0, %mul3A : i32
    %add3A = arith.addi %mul3A_0, %arg1 : i32
    %dma_start3A = arith.constant 0 : i32
    %dma_start3A_1 = arith.constant 2 : i32
    %dma_start3A_2 = arith.constant 0 : i32
    %dma_start3A_3 = tpu.memref_slice %arg6[%dma_start3A_1, %dma_start3A_2] : memref<4x80xi32, #tpu.memory_space<vmem>> -> memref<1x80xi32, #tpu.memory_space<vmem>>
    %dma_start3A_4 = tpu.memref_squeeze %dma_start3A_3 : memref<1x80xi32, #tpu.memory_space<vmem>> -> memref<80xi32, #tpu.memory_space<vmem>>
    %dma_start3A_5 = arith.constant 0 : i32
    %dma_start3A_6 = tpu.memref_slice %arg2[%add3A, %dma_start3A, %dma_start3A_5] : memref<32x125x80xi32, #tpu.memory_space<hbm>> -> memref<1x1x80xi32, #tpu.memory_space<hbm>>
    %dma_start3A_7 = tpu.memref_squeeze %dma_start3A_6 : memref<1x1x80xi32, #tpu.memory_space<hbm>> -> memref<80xi32, #tpu.memory_space<hbm>>
    %dma_start3A_8 = arith.constant 0 : i32
    %dma_start3A_9 = tpu.memref_slice %arg6[%dma_start3A_1, %dma_start3A_8] : memref<4x80xi32, #tpu.memory_space<vmem>> -> memref<1x80xi32, #tpu.memory_space<vmem>>
    %dma_start3A_10 = tpu.memref_squeeze %dma_start3A_9 : memref<1x80xi32, #tpu.memory_space<vmem>> -> memref<80xi32, #tpu.memory_space<vmem>>
    %dma_start3A_11 = arith.constant 0 : i32
    %dma_start3A_12 = tpu.memref_slice %arg2[%add3A, %dma_start3A, %dma_start3A_11] : memref<32x125x80xi32, #tpu.memory_space<hbm>> -> memref<1x1x80xi32, #tpu.memory_space<hbm>>
    %dma_start3A_13 = tpu.memref_squeeze %dma_start3A_12 : memref<1x1x80xi32, #tpu.memory_space<hbm>> -> memref<80xi32, #tpu.memory_space<hbm>>
    tpu.enqueue_dma source(%dma_start3A_13 : memref<80xi32, #tpu.memory_space<hbm>>) target(%dma_start3A_10 : memref<80xi32, #tpu.memory_space<vmem>>) target_semaphore(%arg11 : memref<!tpu.dma_semaphore, #tpu.memory_space<semaphore_mem>>)
    %dma_start3A_14 = arith.constant 1 : i32
    %dma_start3A_15 = arith.constant 3 : i32
    %dma_start3A_16 = arith.constant 0 : i32
    %dma_start3A_17 = tpu.memref_slice %arg6[%dma_start3A_15, %dma_start3A_16] : memref<4x80xi32, #tpu.memory_space<vmem>> -> memref<1x80xi32, #tpu.memory_space<vmem>>
    %dma_start3A_18 = tpu.memref_squeeze %dma_start3A_17 : memref<1x80xi32, #tpu.memory_space<vmem>> -> memref<80xi32, #tpu.memory_space<vmem>>
    %dma_start3A_19 = arith.constant 0 : i32
    %dma_start3A_20 = tpu.memref_slice %arg2[%add3A, %dma_start3A_14, %dma_start3A_19] : memref<32x125x80xi32, #tpu.memory_space<hbm>> -> memref<1x1x80xi32, #tpu.memory_space<hbm>>
    %dma_start3A_21 = tpu.memref_squeeze %dma_start3A_20 : memref<1x1x80xi32, #tpu.memory_space<hbm>> -> memref<80xi32, #tpu.memory_space<hbm>>
    %dma_start3A_22 = arith.constant 0 : i32
    %dma_start3A_23 = tpu.memref_slice %arg6[%dma_start3A_15, %dma_start3A_22] : memref<4x80xi32, #tpu.memory_space<vmem>> -> memref<1x80xi32, #tpu.memory_space<vmem>>
    %dma_start3A_24 = tpu.memref_squeeze %dma_start3A_23 : memref<1x80xi32, #tpu.memory_space<vmem>> -> memref<80xi32, #tpu.memory_space<vmem>>
    %dma_start3A_25 = arith.constant 0 : i32
    %dma_start3A_26 = tpu.memref_slice %arg2[%add3A, %dma_start3A_14, %dma_start3A_25] : memref<32x125x80xi32, #tpu.memory_space<hbm>> -> memref<1x1x80xi32, #tpu.memory_space<hbm>>
    %dma_start3A_27 = tpu.memref_squeeze %dma_start3A_26 : memref<1x1x80xi32, #tpu.memory_space<hbm>> -> memref<80xi32, #tpu.memory_space<hbm>>
    tpu.enqueue_dma source(%dma_start3A_27 : memref<80xi32, #tpu.memory_space<hbm>>) target(%dma_start3A_24 : memref<80xi32, #tpu.memory_space<vmem>>) target_semaphore(%arg11 : memref<!tpu.dma_semaphore, #tpu.memory_space<semaphore_mem>>)
    %dma_start3A_28 = arith.constant 2 : i32
    %dma_start3A_29 = arith.constant 0 : i32
    %dma_start3A_30 = arith.constant 0 : i32
    %dma_start3A_31 = tpu.memref_slice %arg6[%dma_start3A_29, %dma_start3A_30] : memref<4x80xi32, #tpu.memory_space<vmem>> -> memref<1x80xi32, #tpu.memory_space<vmem>>
    %dma_start3A_32 = tpu.memref_squeeze %dma_start3A_31 : memref<1x80xi32, #tpu.memory_space<vmem>> -> memref<80xi32, #tpu.memory_space<vmem>>
    %dma_start3A_33 = arith.constant 0 : i32
    %dma_start3A_34 = tpu.memref_slice %arg2[%add3A, %dma_start3A_28, %dma_start3A_33] : memref<32x125x80xi32, #tpu.memory_space<hbm>> -> memref<1x1x80xi32, #tpu.memory_space<hbm>>
    %dma_start3A_35 = tpu.memref_squeeze %dma_start3A_34 : memref<1x1x80xi32, #tpu.memory_space<hbm>> -> memref<80xi32, #tpu.memory_space<hbm>>
    %dma_start3A_36 = arith.constant 0 : i32
    %dma_start3A_37 = tpu.memref_slice %arg6[%dma_start3A_29, %dma_start3A_36] : memref<4x80xi32, #tpu.memory_space<vmem>> -> memref<1x80xi32, #tpu.memory_space<vmem>>
    %dma_start3A_38 = tpu.memref_squeeze %dma_start3A_37 : memref<1x80xi32, #tpu.memory_space<vmem>> -> memref<80xi32, #tpu.memory_space<vmem>>
    %dma_start3A_39 = arith.constant 0 : i32
    %dma_start3A_40 = tpu.memref_slice %arg2[%add3A, %dma_start3A_28, %dma_start3A_39] : memref<32x125x80xi32, #tpu.memory_space<hbm>> -> memref<1x1x80xi32, #tpu.memory_space<hbm>>
    %dma_start3A_41 = tpu.memref_squeeze %dma_start3A_40 : memref<1x1x80xi32, #tpu.memory_space<hbm>> -> memref<80xi32, #tpu.memory_space<hbm>>
    tpu.enqueue_dma source(%dma_start3A_41 : memref<80xi32, #tpu.memory_space<hbm>>) target(%dma_start3A_38 : memref<80xi32, #tpu.memory_space<vmem>>) target_semaphore(%arg11 : memref<!tpu.dma_semaphore, #tpu.memory_space<semaphore_mem>>)
    %dma_start3A_42 = arith.constant 0 : i32
    %dma_start3A_43 = arith.constant 2 : i32
    %dma_start3A_44 = arith.constant 0 : i32
    %dma_start3A_45 = tpu.memref_slice %arg7[%dma_start3A_43, %dma_start3A_44] : memref<4x80xi32, #tpu.memory_space<vmem>> -> memref<1x80xi32, #tpu.memory_space<vmem>>
    %dma_start3A_46 = tpu.memref_squeeze %dma_start3A_45 : memref<1x80xi32, #tpu.memory_space<vmem>> -> memref<80xi32, #tpu.memory_space<vmem>>
    %dma_start3A_47 = arith.constant 0 : i32
    %dma_start3A_48 = tpu.memref_slice %arg3[%add3A, %dma_start3A_42, %dma_start3A_47] : memref<32x125x80xi32, #tpu.memory_space<hbm>> -> memref<1x1x80xi32, #tpu.memory_space<hbm>>
    %dma_start3A_49 = tpu.memref_squeeze %dma_start3A_48 : memref<1x1x80xi32, #tpu.memory_space<hbm>> -> memref<80xi32, #tpu.memory_space<hbm>>
    %dma_start3A_50 = arith.constant 0 : i32
    %dma_start3A_51 = tpu.memref_slice %arg7[%dma_start3A_43, %dma_start3A_50] : memref<4x80xi32, #tpu.memory_space<vmem>> -> memref<1x80xi32, #tpu.memory_space<vmem>>
    %dma_start3A_52 = tpu.memref_squeeze %dma_start3A_51 : memref<1x80xi32, #tpu.memory_space<vmem>> -> memref<80xi32, #tpu.memory_space<vmem>>
    %dma_start3A_53 = arith.constant 0 : i32
    %dma_start3A_54 = tpu.memref_slice %arg3[%add3A, %dma_start3A_42, %dma_start3A_53] : memref<32x125x80xi32, #tpu.memory_space<hbm>> -> memref<1x1x80xi32, #tpu.memory_space<hbm>>
    %dma_start3A_55 = tpu.memref_squeeze %dma_start3A_54 : memref<1x1x80xi32, #tpu.memory_space<hbm>> -> memref<80xi32, #tpu.memory_space<hbm>>
    tpu.enqueue_dma source(%dma_start3A_55 : memref<80xi32, #tpu.memory_space<hbm>>) target(%dma_start3A_52 : memref<80xi32, #tpu.memory_space<vmem>>) target_semaphore(%arg12 : memref<!tpu.dma_semaphore, #tpu.memory_space<semaphore_mem>>)
    %dma_start3A_56 = arith.constant 1 : i32
    %dma_start3A_57 = arith.constant 3 : i32
    %dma_start3A_58 = arith.constant 0 : i32
    %dma_start3A_59 = tpu.memref_slice %arg7[%dma_start3A_57, %dma_start3A_58] : memref<4x80xi32, #tpu.memory_space<vmem>> -> memref<1x80xi32, #tpu.memory_space<vmem>>
    %dma_start3A_60 = tpu.memref_squeeze %dma_start3A_59 : memref<1x80xi32, #tpu.memory_space<vmem>> -> memref<80xi32, #tpu.memory_space<vmem>>
    %dma_start3A_61 = arith.constant 0 : i32
    %dma_start3A_62 = tpu.memref_slice %arg3[%add3A, %dma_start3A_56, %dma_start3A_61] : memref<32x125x80xi32, #tpu.memory_space<hbm>> -> memref<1x1x80xi32, #tpu.memory_space<hbm>>
    %dma_start3A_63 = tpu.memref_squeeze %dma_start3A_62 : memref<1x1x80xi32, #tpu.memory_space<hbm>> -> memref<80xi32, #tpu.memory_space<hbm>>
    %dma_start3A_64 = arith.constant 0 : i32
    %dma_start3A_65 = tpu.memref_slice %arg7[%dma_start3A_57, %dma_start3A_64] : memref<4x80xi32, #tpu.memory_space<vmem>> -> memref<1x80xi32, #tpu.memory_space<vmem>>
    %dma_start3A_66 = tpu.memref_squeeze %dma_start3A_65 : memref<1x80xi32, #tpu.memory_space<vmem>> -> memref<80xi32, #tpu.memory_space<vmem>>
    %dma_start3A_67 = arith.constant 0 : i32
    %dma_start3A_68 = tpu.memref_slice %arg3[%add3A, %dma_start3A_56, %dma_start3A_67] : memref<32x125x80xi32, #tpu.memory_space<hbm>> -> memref<1x1x80xi32, #tpu.memory_space<hbm>>
    %dma_start3A_69 = tpu.memref_squeeze %dma_start3A_68 : memref<1x1x80xi32, #tpu.memory_space<hbm>> -> memref<80xi32, #tpu.memory_space<hbm>>
    tpu.enqueue_dma source(%dma_start3A_69 : memref<80xi32, #tpu.memory_space<hbm>>) target(%dma_start3A_66 : memref<80xi32, #tpu.memory_space<vmem>>) target_semaphore(%arg12 : memref<!tpu.dma_semaphore, #tpu.memory_space<semaphore_mem>>)
    %dma_wait3A = arith.constant 0 : i32
    %dma_wait3A_70 = arith.constant 2 : i32
    %dma_wait3A_71 = arith.constant 0 : i32
    %dma_wait3A_72 = tpu.memref_slice %arg6[%dma_wait3A_70, %dma_wait3A_71] : memref<4x80xi32, #tpu.memory_space<vmem>> -> memref<1x80xi32, #tpu.memory_space<vmem>>
    %dma_wait3A_73 = tpu.memref_squeeze %dma_wait3A_72 : memref<1x80xi32, #tpu.memory_space<vmem>> -> memref<80xi32, #tpu.memory_space<vmem>>
    %dma_wait3A_74 = arith.constant 0 : i32
    %dma_wait3A_75 = tpu.memref_slice %arg2[%add3A, %dma_wait3A, %dma_wait3A_74] : memref<32x125x80xi32, #tpu.memory_space<hbm>> -> memref<1x1x80xi32, #tpu.memory_space<hbm>>
    %dma_wait3A_76 = tpu.memref_squeeze %dma_wait3A_75 : memref<1x1x80xi32, #tpu.memory_space<hbm>> -> memref<80xi32, #tpu.memory_space<hbm>>
    %dma_wait3A_77 = arith.constant 0 : i32
    %dma_wait3A_78 = tpu.memref_slice %arg6[%dma_wait3A_70, %dma_wait3A_77] : memref<4x80xi32, #tpu.memory_space<vmem>> -> memref<1x80xi32, #tpu.memory_space<vmem>>
    %dma_wait3A_79 = tpu.memref_squeeze %dma_wait3A_78 : memref<1x80xi32, #tpu.memory_space<vmem>> -> memref<80xi32, #tpu.memory_space<vmem>>
    %dma_wait3A_80 = arith.constant 0 : i32
    %dma_wait3A_81 = tpu.memref_slice %arg2[%add3A, %dma_wait3A, %dma_wait3A_80] : memref<32x125x80xi32, #tpu.memory_space<hbm>> -> memref<1x1x80xi32, #tpu.memory_space<hbm>>
    %dma_wait3A_82 = tpu.memref_squeeze %dma_wait3A_81 : memref<1x1x80xi32, #tpu.memory_space<hbm>> -> memref<80xi32, #tpu.memory_space<hbm>>
    tpu.wait_dma2 semaphore(%arg11 : memref<!tpu.dma_semaphore, #tpu.memory_space<semaphore_mem>>) src(%dma_wait3A_82 : memref<80xi32, #tpu.memory_space<hbm>>) dst(%dma_wait3A_79 : memref<80xi32, #tpu.memory_space<vmem>>)
    %dma_start3A_83 = arith.constant 2 : i32
    %dma_start3A_84 = arith.constant 2 : i32
    %dma_start3A_85 = arith.constant 0 : i32
    %dma_start3A_86 = arith.constant 0 : i32
    %dma_start3A_87 = tpu.memref_slice %arg8[%dma_start3A_84, %dma_start3A_85, %dma_start3A_86] : memref<4x80x128xf32, #tpu.memory_space<vmem>> -> memref<1x80x128xf32, #tpu.memory_space<vmem>>
    %dma_start3A_88 = tpu.memref_squeeze %dma_start3A_87 : memref<1x80x128xf32, #tpu.memory_space<vmem>> -> memref<80x128xf32, #tpu.memory_space<vmem>>
    %dma_start3A_89 = arith.constant 0 : i32
    %dma_start3A_90 = tpu.memref_slice %arg6[%dma_start3A_83, %dma_start3A_89] : memref<4x80xi32, #tpu.memory_space<vmem>> -> memref<1x80xi32, #tpu.memory_space<vmem>>
    %dma_start3A_91 = tpu.memref_squeeze %dma_start3A_90 : memref<1x80xi32, #tpu.memory_space<vmem>> -> memref<80xi32, #tpu.memory_space<vmem>>
    %dma_start3A_92 = arith.constant 0 : i32
    %dma_start3A_93 = arith.constant 0 : i32
    %dma_start3A_94 = tpu.memref_slice %arg4[%dma_start3A_92, %dma_start3A_93] : memref<10000x128xf32, #tpu.memory_space<hbm>> -> memref<10000x128xf32, #tpu.memory_space<hbm>>
    tpu.enqueue_indirect_dma source(%dma_start3A_94 : memref<10000x128xf32, #tpu.memory_space<hbm>>) target(%dma_start3A_88 : memref<80x128xf32, #tpu.memory_space<vmem>>) offsets(%dma_start3A_91 : memref<80xi32, #tpu.memory_space<vmem>>) semaphore(%arg10 : memref<!tpu.dma_semaphore, #tpu.memory_space<semaphore_mem>>)
    %dma_wait3A_95 = arith.constant 1 : i32
    %dma_wait3A_96 = arith.constant 3 : i32
    %dma_wait3A_97 = arith.constant 0 : i32
    %dma_wait3A_98 = tpu.memref_slice %arg6[%dma_wait3A_96, %dma_wait3A_97] : memref<4x80xi32, #tpu.memory_space<vmem>> -> memref<1x80xi32, #tpu.memory_space<vmem>>
    %dma_wait3A_99 = tpu.memref_squeeze %dma_wait3A_98 : memref<1x80xi32, #tpu.memory_space<vmem>> -> memref<80xi32, #tpu.memory_space<vmem>>
    %dma_wait3A_100 = arith.constant 0 : i32
    %dma_wait3A_101 = tpu.memref_slice %arg2[%add3A, %dma_wait3A_95, %dma_wait3A_100] : memref<32x125x80xi32, #tpu.memory_space<hbm>> -> memref<1x1x80xi32, #tpu.memory_space<hbm>>
    %dma_wait3A_102 = tpu.memref_squeeze %dma_wait3A_101 : memref<1x1x80xi32, #tpu.memory_space<hbm>> -> memref<80xi32, #tpu.memory_space<hbm>>
    %dma_wait3A_103 = arith.constant 0 : i32
    %dma_wait3A_104 = tpu.memref_slice %arg6[%dma_wait3A_96, %dma_wait3A_103] : memref<4x80xi32, #tpu.memory_space<vmem>> -> memref<1x80xi32, #tpu.memory_space<vmem>>
    %dma_wait3A_105 = tpu.memref_squeeze %dma_wait3A_104 : memref<1x80xi32, #tpu.memory_space<vmem>> -> memref<80xi32, #tpu.memory_space<vmem>>
    %dma_wait3A_106 = arith.constant 0 : i32
    %dma_wait3A_107 = tpu.memref_slice %arg2[%add3A, %dma_wait3A_95, %dma_wait3A_106] : memref<32x125x80xi32, #tpu.memory_space<hbm>> -> memref<1x1x80xi32, #tpu.memory_space<hbm>>
    %dma_wait3A_108 = tpu.memref_squeeze %dma_wait3A_107 : memref<1x1x80xi32, #tpu.memory_space<hbm>> -> memref<80xi32, #tpu.memory_space<hbm>>
    tpu.wait_dma2 semaphore(%arg11 : memref<!tpu.dma_semaphore, #tpu.memory_space<semaphore_mem>>) src(%dma_wait3A_108 : memref<80xi32, #tpu.memory_space<hbm>>) dst(%dma_wait3A_105 : memref<80xi32, #tpu.memory_space<vmem>>)
    %dma_start3A_109 = arith.constant 3 : i32
    %dma_start3A_110 = arith.constant 3 : i32
    %dma_start3A_111 = arith.constant 0 : i32
    %dma_start3A_112 = arith.constant 0 : i32
    %dma_start3A_113 = tpu.memref_slice %arg8[%dma_start3A_110, %dma_start3A_111, %dma_start3A_112] : memref<4x80x128xf32, #tpu.memory_space<vmem>> -> memref<1x80x128xf32, #tpu.memory_space<vmem>>
    %dma_start3A_114 = tpu.memref_squeeze %dma_start3A_113 : memref<1x80x128xf32, #tpu.memory_space<vmem>> -> memref<80x128xf32, #tpu.memory_space<vmem>>
    %dma_start3A_115 = arith.constant 0 : i32
    %dma_start3A_116 = tpu.memref_slice %arg6[%dma_start3A_109, %dma_start3A_115] : memref<4x80xi32, #tpu.memory_space<vmem>> -> memref<1x80xi32, #tpu.memory_space<vmem>>
    %dma_start3A_117 = tpu.memref_squeeze %dma_start3A_116 : memref<1x80xi32, #tpu.memory_space<vmem>> -> memref<80xi32, #tpu.memory_space<vmem>>
    %dma_start3A_118 = arith.constant 0 : i32
    %dma_start3A_119 = arith.constant 0 : i32
    %dma_start3A_120 = tpu.memref_slice %arg4[%dma_start3A_118, %dma_start3A_119] : memref<10000x128xf32, #tpu.memory_space<hbm>> -> memref<10000x128xf32, #tpu.memory_space<hbm>>
    tpu.enqueue_indirect_dma source(%dma_start3A_120 : memref<10000x128xf32, #tpu.memory_space<hbm>>) target(%dma_start3A_114 : memref<80x128xf32, #tpu.memory_space<vmem>>) offsets(%dma_start3A_117 : memref<80xi32, #tpu.memory_space<vmem>>) semaphore(%arg10 : memref<!tpu.dma_semaphore, #tpu.memory_space<semaphore_mem>>)
    %broadcast_in_dim3A = arith.constant 0.000000e+00 : f32
    %broadcast_in_dim3A_121 = vector.broadcast %broadcast_in_dim3A : f32 to vector<16xf32>
    %scan3A = arith.constant 0 : i32
    %scan3A_122 = arith.constant 0 : i32
    %scan3A_123 = arith.constant 640 : i32
    %scan3A_124 = arith.addi %scan3A_122, %scan3A_123 : i32
    %scan3A_125 = arith.constant 1 : i32
    scf.for %scan3A_203 = %scan3A_122 to %scan3A_124 step %scan3A_125  : i32 {
      %jit3A = arith.constant 8 : i32
      %div3A = arith.divsi %scan3A_203, %jit3A : i32
      %sign3A = arith.constant 0 : i32
      %sign3A_204 = arith.cmpi sgt, %scan3A_203, %sign3A : i32
      %sign3A_205 = arith.extui %sign3A_204 : i1 to i32
      %sign3A_206 = arith.constant 0 : i32
      %sign3A_207 = arith.cmpi slt, %scan3A_203, %sign3A_206 : i32
      %sign3A_208 = arith.extui %sign3A_207 : i1 to i32
      %sign3A_209 = arith.subi %sign3A_205, %sign3A_208 : i32
      %sign3A_210 = arith.constant 0 : i32
      %sign3A_211 = arith.cmpi sgt, %jit3A, %sign3A_210 : i32
      %sign3A_212 = arith.extui %sign3A_211 : i1 to i32
      %sign3A_213 = arith.constant 0 : i32
      %sign3A_214 = arith.cmpi slt, %jit3A, %sign3A_213 : i32
      %sign3A_215 = arith.extui %sign3A_214 : i1 to i32
      %sign3A_216 = arith.subi %sign3A_212, %sign3A_215 : i32
      %ne3A = arith.cmpi ne, %sign3A_209, %sign3A_216 : i32
      %rem3A = arith.remsi %scan3A_203, %jit3A : i32
      %ne3A_217 = arith.constant 0 : i32
      %ne3A_218 = arith.cmpi ne, %rem3A, %ne3A_217 : i32
      %and3A = arith.andi %ne3A, %ne3A_218 : i1
      %sub3A = arith.constant 1 : i32
      %sub3A_219 = arith.subi %div3A, %sub3A : i32
      %select_n3A = arith.select %and3A, %sub3A_219, %div3A : i32
      %jit3A_220 = arith.constant 8 : i32
      %eq3A = arith.constant 0 : i32
      %eq3A_221 = arith.cmpi eq, %jit3A_220, %eq3A : i32
      %jit3A_222 = arith.constant 1 : i32
      %select_n3A_223 = arith.select %eq3A_221, %jit3A_222, %jit3A_220 : i32
      %rem3A_224 = arith.remsi %scan3A_203, %select_n3A_223 : i32
      %ne3A_225 = arith.constant 0 : i32
      %ne3A_226 = arith.cmpi ne, %rem3A_224, %ne3A_225 : i32
      %lt3A_227 = arith.constant 0 : i32
      %lt3A_228 = arith.cmpi slt, %rem3A_224, %lt3A_227 : i32
      %lt3A_229 = arith.constant 0 : i32
      %lt3A_230 = arith.cmpi slt, %select_n3A_223, %lt3A_229 : i32
      %ne3A_231 = arith.xori %lt3A_228, %lt3A_230 : i1
      %and3A_232 = arith.andi %ne3A_231, %ne3A_226 : i1
      %add3A_233 = arith.addi %rem3A_224, %select_n3A_223 : i32
      %select_n3A_234 = arith.select %and3A_232, %add3A_233, %rem3A_224 : i32
      %mul3A_235 = arith.constant 16 : i32
      %mul3A_236 = arith.muli %select_n3A_234, %mul3A_235 : i32
      %swap3A = arith.constant 0 : i32
      %swap3A_237 = arith.index_cast %swap3A : i32 to index
      %swap3A_238 = arith.index_cast %select_n3A : i32 to index
      %swap3A_239 = arith.index_cast %mul3A_236 : i32 to index
      %swap3A_240 = tpu.vector_load %arg8[%swap3A_237, %swap3A_238, %swap3A_239] {strides = array<i32>} : memref<4x80x128xf32, #tpu.memory_space<vmem>>, vector<16xf32>,
      tpu.vector_store %arg8[%swap3A_237, %swap3A_238, %swap3A_239], %broadcast_in_dim3A_121 {strides = array<i32>} : memref<4x80x128xf32, #tpu.memory_space<vmem>>, vector<16xf32>,
    }
    %scan3A_126 = arith.constant 640 : i32
    %mul3A_127 = arith.constant 624 : i32
    %mul3A_128 = arith.muli %mul3A_127, %arg1 : i32
    %min3A = arith.constant 1 : i32
    %min3A_129 = arith.minsi %arg1, %min3A : i32
    %mul3A_130 = arith.constant 16 : i32
    %mul3A_131 = arith.muli %mul3A_130, %min3A_129 : i32
    %add3A_132 = arith.addi %mul3A_128, %mul3A_131 : i32
    %add3A_133 = arith.constant 0 : i32
    %add3A_134 = arith.addi %add3A_132, %add3A_133 : i32
    %multiple_of3A = tpu.assume_multiple %add3A_134, 8 : i32
    %run_scoped3A = arith.constant 0 : i32
    "tpu.region"() ({
      %run_scoped3A_203 = tpu.sem_alloc : memref<!tpu.dma_semaphore, #tpu.memory_space<semaphore_mem>>
      %dma_start3A_204 = arith.constant 0 : i32
      %dma_start3A_205 = arith.constant 0 : i32
      %dma_start3A_206 = tpu.memref_slice %arg8[%run_scoped3A, %dma_start3A_204, %dma_start3A_205] : memref<4x80x128xf32, #tpu.memory_space<vmem>> -> memref<1x80x128xf32, #tpu.memory_space<vmem>>
      %dma_start3A_207 = tpu.memref_squeeze %dma_start3A_206 : memref<1x80x128xf32, #tpu.memory_space<vmem>> -> memref<80x128xf32, #tpu.memory_space<vmem>>
      %dma_start3A_208 = arith.constant 0 : i32
      %dma_start3A_209 = tpu.memref_slice %arg9[%multiple_of3A, %dma_start3A_208] : memref<10000x128xf32, #tpu.memory_space<vmem_shared>> -> memref<80x128xf32, #tpu.memory_space<vmem_shared>>
      %dma_start3A_210 = arith.constant 0 : i32
      %dma_start3A_211 = tpu.memref_slice %arg9[%multiple_of3A, %dma_start3A_210] : memref<10000x128xf32, #tpu.memory_space<vmem_shared>> -> memref<80x128xf32, #tpu.memory_space<vmem_shared>>
      %dma_start3A_212 = arith.constant 0 : i32
      %dma_start3A_213 = arith.constant 0 : i32
      %dma_start3A_214 = tpu.memref_slice %arg8[%run_scoped3A, %dma_start3A_212, %dma_start3A_213] : memref<4x80x128xf32, #tpu.memory_space<vmem>> -> memref<1x80x128xf32, #tpu.memory_space<vmem>>
      %dma_start3A_215 = tpu.memref_squeeze %dma_start3A_214 : memref<1x80x128xf32, #tpu.memory_space<vmem>> -> memref<80x128xf32, #tpu.memory_space<vmem>>
      tpu.enqueue_dma source(%dma_start3A_215 : memref<80x128xf32, #tpu.memory_space<vmem>>) target(%dma_start3A_211 : memref<80x128xf32, #tpu.memory_space<vmem_shared>>) target_semaphore(%run_scoped3A_203 : memref<!tpu.dma_semaphore, #tpu.memory_space<semaphore_mem>>)
      %dma_wait3A_216 = arith.constant 0 : i32
      %dma_wait3A_217 = arith.constant 0 : i32
      %dma_wait3A_218 = tpu.memref_slice %arg8[%run_scoped3A, %dma_wait3A_216, %dma_wait3A_217] : memref<4x80x128xf32, #tpu.memory_space<vmem>> -> memref<1x80x128xf32, #tpu.memory_space<vmem>>
      %dma_wait3A_219 = tpu.memref_squeeze %dma_wait3A_218 : memref<1x80x128xf32, #tpu.memory_space<vmem>> -> memref<80x128xf32, #tpu.memory_space<vmem>>
      %dma_wait3A_220 = arith.constant 0 : i32
      %dma_wait3A_221 = tpu.memref_slice %arg9[%multiple_of3A, %dma_wait3A_220] : memref<10000x128xf32, #tpu.memory_space<vmem_shared>> -> memref<80x128xf32, #tpu.memory_space<vmem_shared>>
      %dma_wait3A_222 = arith.constant 0 : i32
      %dma_wait3A_223 = tpu.memref_slice %arg9[%multiple_of3A, %dma_wait3A_222] : memref<10000x128xf32, #tpu.memory_space<vmem_shared>> -> memref<80x128xf32, #tpu.memory_space<vmem_shared>>
      %dma_wait3A_224 = arith.constant 0 : i32
      %dma_wait3A_225 = arith.constant 0 : i32
      %dma_wait3A_226 = tpu.memref_slice %arg8[%run_scoped3A, %dma_wait3A_224, %dma_wait3A_225] : memref<4x80x128xf32, #tpu.memory_space<vmem>> -> memref<1x80x128xf32, #tpu.memory_space<vmem>>
      %dma_wait3A_227 = tpu.memref_squeeze %dma_wait3A_226 : memref<1x80x128xf32, #tpu.memory_space<vmem>> -> memref<80x128xf32, #tpu.memory_space<vmem>>
      tpu.wait_dma2 semaphore(%run_scoped3A_203 : memref<!tpu.dma_semaphore, #tpu.memory_space<semaphore_mem>>) src(%dma_wait3A_227 : memref<80x128xf32, #tpu.memory_space<vmem>>) dst(%dma_wait3A_223 : memref<80x128xf32, #tpu.memory_space<vmem_shared>>)
      tpu.yield
    }) : () -> ()
    %add3A_135 = arith.constant 80 : i32
    %add3A_136 = arith.addi %add3A_132, %add3A_135 : i32
    %multiple_of3A_137 = tpu.assume_multiple %add3A_136, 8 : i32
    %run_scoped3A_138 = arith.constant 0 : i32
    "tpu.region"() ({
      %run_scoped3A_203 = tpu.sem_alloc : memref<!tpu.dma_semaphore, #tpu.memory_space<semaphore_mem>>
      %dma_start3A_204 = arith.constant 0 : i32
      %dma_start3A_205 = arith.constant 0 : i32
      %dma_start3A_206 = tpu.memref_slice %arg8[%run_scoped3A_138, %dma_start3A_204, %dma_start3A_205] : memref<4x80x128xf32, #tpu.memory_space<vmem>> -> memref<1x80x128xf32, #tpu.memory_space<vmem>>
      %dma_start3A_207 = tpu.memref_squeeze %dma_start3A_206 : memref<1x80x128xf32, #tpu.memory_space<vmem>> -> memref<80x128xf32, #tpu.memory_space<vmem>>
      %dma_start3A_208 = arith.constant 0 : i32
      %dma_start3A_209 = tpu.memref_slice %arg9[%multiple_of3A_137, %dma_start3A_208] : memref<10000x128xf32, #tpu.memory_space<vmem_shared>> -> memref<80x128xf32, #tpu.memory_space<vmem_shared>>
      %dma_start3A_210 = arith.constant 0 : i32
      %dma_start3A_211 = tpu.memref_slice %arg9[%multiple_of3A_137, %dma_start3A_210] : memref<10000x128xf32, #tpu.memory_space<vmem_shared>> -> memref<80x128xf32, #tpu.memory_space<vmem_shared>>
      %dma_start3A_212 = arith.constant 0 : i32
      %dma_start3A_213 = arith.constant 0 : i32
      %dma_start3A_214 = tpu.memref_slice %arg8[%run_scoped3A_138, %dma_start3A_212, %dma_start3A_213] : memref<4x80x128xf32, #tpu.memory_space<vmem>> -> memref<1x80x128xf32, #tpu.memory_space<vmem>>
      %dma_start3A_215 = tpu.memref_squeeze %dma_start3A_214 : memref<1x80x128xf32, #tpu.memory_space<vmem>> -> memref<80x128xf32, #tpu.memory_space<vmem>>
      tpu.enqueue_dma source(%dma_start3A_215 : memref<80x128xf32, #tpu.memory_space<vmem>>) target(%dma_start3A_211 : memref<80x128xf32, #tpu.memory_space<vmem_shared>>) target_semaphore(%run_scoped3A_203 : memref<!tpu.dma_semaphore, #tpu.memory_space<semaphore_mem>>)
      %dma_wait3A_216 = arith.constant 0 : i32
      %dma_wait3A_217 = arith.constant 0 : i32
      %dma_wait3A_218 = tpu.memref_slice %arg8[%run_scoped3A_138, %dma_wait3A_216, %dma_wait3A_217] : memref<4x80x128xf32, #tpu.memory_space<vmem>> -> memref<1x80x128xf32, #tpu.memory_space<vmem>>
      %dma_wait3A_219 = tpu.memref_squeeze %dma_wait3A_218 : memref<1x80x128xf32, #tpu.memory_space<vmem>> -> memref<80x128xf32, #tpu.memory_space<vmem>>
      %dma_wait3A_220 = arith.constant 0 : i32
      %dma_wait3A_221 = tpu.memref_slice %arg9[%multiple_of3A_137, %dma_wait3A_220] : memref<10000x128xf32, #tpu.memory_space<vmem_shared>> -> memref<80x128xf32, #tpu.memory_space<vmem_shared>>
      %dma_wait3A_222 = arith.constant 0 : i32
      %dma_wait3A_223 = tpu.memref_slice %arg9[%multiple_of3A_137, %dma_wait3A_222] : memref<10000x128xf32, #tpu.memory_space<vmem_shared>> -> memref<80x128xf32, #tpu.memory_space<vmem_shared>>
      %dma_wait3A_224 = arith.constant 0 : i32
      %dma_wait3A_225 = arith.constant 0 : i32
      %dma_wait3A_226 = tpu.memref_slice %arg8[%run_scoped3A_138, %dma_wait3A_224, %dma_wait3A_225] : memref<4x80x128xf32, #tpu.memory_space<vmem>> -> memref<1x80x128xf32, #tpu.memory_space<vmem>>
      %dma_wait3A_227 = tpu.memref_squeeze %dma_wait3A_226 : memref<1x80x128xf32, #tpu.memory_space<vmem>> -> memref<80x128xf32, #tpu.memory_space<vmem>>
      tpu.wait_dma2 semaphore(%run_scoped3A_203 : memref<!tpu.dma_semaphore, #tpu.memory_space<semaphore_mem>>) src(%dma_wait3A_227 : memref<80x128xf32, #tpu.memory_space<vmem>>) dst(%dma_wait3A_223 : memref<80x128xf32, #tpu.memory_space<vmem_shared>>)
      tpu.yield
    }) : () -> ()
    %add3A_139 = arith.constant 160 : i32
    %add3A_140 = arith.addi %add3A_132, %add3A_139 : i32
    %multiple_of3A_141 = tpu.assume_multiple %add3A_140, 8 : i32
    %run_scoped3A_142 = arith.constant 0 : i32
    "tpu.region"() ({
      %run_scoped3A_203 = tpu.sem_alloc : memref<!tpu.dma_semaphore, #tpu.memory_space<semaphore_mem>>
      %dma_start3A_204 = arith.constant 0 : i32
      %dma_start3A_205 = arith.constant 0 : i32
      %dma_start3A_206 = tpu.memref_slice %arg8[%run_scoped3A_142, %dma_start3A_204, %dma_start3A_205] : memref<4x80x128xf32, #tpu.memory_space<vmem>> -> memref<1x80x128xf32, #tpu.memory_space<vmem>>
      %dma_start3A_207 = tpu.memref_squeeze %dma_start3A_206 : memref<1x80x128xf32, #tpu.memory_space<vmem>> -> memref<80x128xf32, #tpu.memory_space<vmem>>
      %dma_start3A_208 = arith.constant 0 : i32
      %dma_start3A_209 = tpu.memref_slice %arg9[%multiple_of3A_141, %dma_start3A_208] : memref<10000x128xf32, #tpu.memory_space<vmem_shared>> -> memref<80x128xf32, #tpu.memory_space<vmem_shared>>
      %dma_start3A_210 = arith.constant 0 : i32
      %dma_start3A_211 = tpu.memref_slice %arg9[%multiple_of3A_141, %dma_start3A_210] : memref<10000x128xf32, #tpu.memory_space<vmem_shared>> -> memref<80x128xf32, #tpu.memory_space<vmem_shared>>
      %dma_start3A_212 = arith.constant 0 : i32
      %dma_start3A_213 = arith.constant 0 : i32
      %dma_start3A_214 = tpu.memref_slice %arg8[%run_scoped3A_142, %dma_start3A_212, %dma_start3A_213] : memref<4x80x128xf32, #tpu.memory_space<vmem>> -> memref<1x80x128xf32, #tpu.memory_space<vmem>>
      %dma_start3A_215 = tpu.memref_squeeze %dma_start3A_214 : memref<1x80x128xf32, #tpu.memory_space<vmem>> -> memref<80x128xf32, #tpu.memory_space<vmem>>
      tpu.enqueue_dma source(%dma_start3A_215 : memref<80x128xf32, #tpu.memory_space<vmem>>) target(%dma_start3A_211 : memref<80x128xf32, #tpu.memory_space<vmem_shared>>) target_semaphore(%run_scoped3A_203 : memref<!tpu.dma_semaphore, #tpu.memory_space<semaphore_mem>>)
      %dma_wait3A_216 = arith.constant 0 : i32
      %dma_wait3A_217 = arith.constant 0 : i32
      %dma_wait3A_218 = tpu.memref_slice %arg8[%run_scoped3A_142, %dma_wait3A_216, %dma_wait3A_217] : memref<4x80x128xf32, #tpu.memory_space<vmem>> -> memref<1x80x128xf32, #tpu.memory_space<vmem>>
      %dma_wait3A_219 = tpu.memref_squeeze %dma_wait3A_218 : memref<1x80x128xf32, #tpu.memory_space<vmem>> -> memref<80x128xf32, #tpu.memory_space<vmem>>
      %dma_wait3A_220 = arith.constant 0 : i32
      %dma_wait3A_221 = tpu.memref_slice %arg9[%multiple_of3A_141, %dma_wait3A_220] : memref<10000x128xf32, #tpu.memory_space<vmem_shared>> -> memref<80x128xf32, #tpu.memory_space<vmem_shared>>
      %dma_wait3A_222 = arith.constant 0 : i32
      %dma_wait3A_223 = tpu.memref_slice %arg9[%multiple_of3A_141, %dma_wait3A_222] : memref<10000x128xf32, #tpu.memory_space<vmem_shared>> -> memref<80x128xf32, #tpu.memory_space<vmem_shared>>
      %dma_wait3A_224 = arith.constant 0 : i32
      %dma_wait3A_225 = arith.constant 0 : i32
      %dma_wait3A_226 = tpu.memref_slice %arg8[%run_scoped3A_142, %dma_wait3A_224, %dma_wait3A_225] : memref<4x80x128xf32, #tpu.memory_space<vmem>> -> memref<1x80x128xf32, #tpu.memory_space<vmem>>
      %dma_wait3A_227 = tpu.memref_squeeze %dma_wait3A_226 : memref<1x80x128xf32, #tpu.memory_space<vmem>> -> memref<80x128xf32, #tpu.memory_space<vmem>>
      tpu.wait_dma2 semaphore(%run_scoped3A_203 : memref<!tpu.dma_semaphore, #tpu.memory_space<semaphore_mem>>) src(%dma_wait3A_227 : memref<80x128xf32, #tpu.memory_space<vmem>>) dst(%dma_wait3A_223 : memref<80x128xf32, #tpu.memory_space<vmem_shared>>)
      tpu.yield
    }) : () -> ()
    %add3A_143 = arith.constant 240 : i32
    %add3A_144 = arith.addi %add3A_132, %add3A_143 : i32
    %multiple_of3A_145 = tpu.assume_multiple %add3A_144, 8 : i32
    %run_scoped3A_146 = arith.constant 0 : i32
    "tpu.region"() ({
      %run_scoped3A_203 = tpu.sem_alloc : memref<!tpu.dma_semaphore, #tpu.memory_space<semaphore_mem>>
      %dma_start3A_204 = arith.constant 0 : i32
      %dma_start3A_205 = arith.constant 0 : i32
      %dma_start3A_206 = tpu.memref_slice %arg8[%run_scoped3A_146, %dma_start3A_204, %dma_start3A_205] : memref<4x80x128xf32, #tpu.memory_space<vmem>> -> memref<1x80x128xf32, #tpu.memory_space<vmem>>
      %dma_start3A_207 = tpu.memref_squeeze %dma_start3A_206 : memref<1x80x128xf32, #tpu.memory_space<vmem>> -> memref<80x128xf32, #tpu.memory_space<vmem>>
      %dma_start3A_208 = arith.constant 0 : i32
      %dma_start3A_209 = tpu.memref_slice %arg9[%multiple_of3A_145, %dma_start3A_208] : memref<10000x128xf32, #tpu.memory_space<vmem_shared>> -> memref<80x128xf32, #tpu.memory_space<vmem_shared>>
      %dma_start3A_210 = arith.constant 0 : i32
      %dma_start3A_211 = tpu.memref_slice %arg9[%multiple_of3A_145, %dma_start3A_210] : memref<10000x128xf32, #tpu.memory_space<vmem_shared>> -> memref<80x128xf32, #tpu.memory_space<vmem_shared>>
      %dma_start3A_212 = arith.constant 0 : i32
      %dma_start3A_213 = arith.constant 0 : i32
      %dma_start3A_214 = tpu.memref_slice %arg8[%run_scoped3A_146, %dma_start3A_212, %dma_start3A_213] : memref<4x80x128xf32, #tpu.memory_space<vmem>> -> memref<1x80x128xf32, #tpu.memory_space<vmem>>
      %dma_start3A_215 = tpu.memref_squeeze %dma_start3A_214 : memref<1x80x128xf32, #tpu.memory_space<vmem>> -> memref<80x128xf32, #tpu.memory_space<vmem>>
      tpu.enqueue_dma source(%dma_start3A_215 : memref<80x128xf32, #tpu.memory_space<vmem>>) target(%dma_start3A_211 : memref<80x128xf32, #tpu.memory_space<vmem_shared>>) target_semaphore(%run_scoped3A_203 : memref<!tpu.dma_semaphore, #tpu.memory_space<semaphore_mem>>)
      %dma_wait3A_216 = arith.constant 0 : i32
      %dma_wait3A_217 = arith.constant 0 : i32
      %dma_wait3A_218 = tpu.memref_slice %arg8[%run_scoped3A_146, %dma_wait3A_216, %dma_wait3A_217] : memref<4x80x128xf32, #tpu.memory_space<vmem>> -> memref<1x80x128xf32, #tpu.memory_space<vmem>>
      %dma_wait3A_219 = tpu.memref_squeeze %dma_wait3A_218 : memref<1x80x128xf32, #tpu.memory_space<vmem>> -> memref<80x128xf32, #tpu.memory_space<vmem>>
      %dma_wait3A_220 = arith.constant 0 : i32
      %dma_wait3A_221 = tpu.memref_slice %arg9[%multiple_of3A_145, %dma_wait3A_220] : memref<10000x128xf32, #tpu.memory_space<vmem_shared>> -> memref<80x128xf32, #tpu.memory_space<vmem_shared>>
      %dma_wait3A_222 = arith.constant 0 : i32
      %dma_wait3A_223 = tpu.memref_slice %arg9[%multiple_of3A_145, %dma_wait3A_222] : memref<10000x128xf32, #tpu.memory_space<vmem_shared>> -> memref<80x128xf32, #tpu.memory_space<vmem_shared>>
      %dma_wait3A_224 = arith.constant 0 : i32
      %dma_wait3A_225 = arith.constant 0 : i32
      %dma_wait3A_226 = tpu.memref_slice %arg8[%run_scoped3A_146, %dma_wait3A_224, %dma_wait3A_225] : memref<4x80x128xf32, #tpu.memory_space<vmem>> -> memref<1x80x128xf32, #tpu.memory_space<vmem>>
      %dma_wait3A_227 = tpu.memref_squeeze %dma_wait3A_226 : memref<1x80x128xf32, #tpu.memory_space<vmem>> -> memref<80x128xf32, #tpu.memory_space<vmem>>
      tpu.wait_dma2 semaphore(%run_scoped3A_203 : memref<!tpu.dma_semaphore, #tpu.memory_space<semaphore_mem>>) src(%dma_wait3A_227 : memref<80x128xf32, #tpu.memory_space<vmem>>) dst(%dma_wait3A_223 : memref<80x128xf32, #tpu.memory_space<vmem_shared>>)
      tpu.yield
    }) : () -> ()
    %add3A_147 = arith.constant 320 : i32
    %add3A_148 = arith.addi %add3A_132, %add3A_147 : i32
    %multiple_of3A_149 = tpu.assume_multiple %add3A_148, 8 : i32
    %run_scoped3A_150 = arith.constant 0 : i32
    "tpu.region"() ({
      %run_scoped3A_203 = tpu.sem_alloc : memref<!tpu.dma_semaphore, #tpu.memory_space<semaphore_mem>>
      %dma_start3A_204 = arith.constant 0 : i32
      %dma_start3A_205 = arith.constant 0 : i32
      %dma_start3A_206 = tpu.memref_slice %arg8[%run_scoped3A_150, %dma_start3A_204, %dma_start3A_205] : memref<4x80x128xf32, #tpu.memory_space<vmem>> -> memref<1x80x128xf32, #tpu.memory_space<vmem>>
      %dma_start3A_207 = tpu.memref_squeeze %dma_start3A_206 : memref<1x80x128xf32, #tpu.memory_space<vmem>> -> memref<80x128xf32, #tpu.memory_space<vmem>>
      %dma_start3A_208 = arith.constant 0 : i32
      %dma_start3A_209 = tpu.memref_slice %arg9[%multiple_of3A_149, %dma_start3A_208] : memref<10000x128xf32, #tpu.memory_space<vmem_shared>> -> memref<80x128xf32, #tpu.memory_space<vmem_shared>>
      %dma_start3A_210 = arith.constant 0 : i32
      %dma_start3A_211 = tpu.memref_slice %arg9[%multiple_of3A_149, %dma_start3A_210] : memref<10000x128xf32, #tpu.memory_space<vmem_shared>> -> memref<80x128xf32, #tpu.memory_space<vmem_shared>>
      %dma_start3A_212 = arith.constant 0 : i32
      %dma_start3A_213 = arith.constant 0 : i32
      %dma_start3A_214 = tpu.memref_slice %arg8[%run_scoped3A_150, %dma_start3A_212, %dma_start3A_213] : memref<4x80x128xf32, #tpu.memory_space<vmem>> -> memref<1x80x128xf32, #tpu.memory_space<vmem>>
      %dma_start3A_215 = tpu.memref_squeeze %dma_start3A_214 : memref<1x80x128xf32, #tpu.memory_space<vmem>> -> memref<80x128xf32, #tpu.memory_space<vmem>>
      tpu.enqueue_dma source(%dma_start3A_215 : memref<80x128xf32, #tpu.memory_space<vmem>>) target(%dma_start3A_211 : memref<80x128xf32, #tpu.memory_space<vmem_shared>>) target_semaphore(%run_scoped3A_203 : memref<!tpu.dma_semaphore, #tpu.memory_space<semaphore_mem>>)
      %dma_wait3A_216 = arith.constant 0 : i32
      %dma_wait3A_217 = arith.constant 0 : i32
      %dma_wait3A_218 = tpu.memref_slice %arg8[%run_scoped3A_150, %dma_wait3A_216, %dma_wait3A_217] : memref<4x80x128xf32, #tpu.memory_space<vmem>> -> memref<1x80x128xf32, #tpu.memory_space<vmem>>
      %dma_wait3A_219 = tpu.memref_squeeze %dma_wait3A_218 : memref<1x80x128xf32, #tpu.memory_space<vmem>> -> memref<80x128xf32, #tpu.memory_space<vmem>>
      %dma_wait3A_220 = arith.constant 0 : i32
      %dma_wait3A_221 = tpu.memref_slice %arg9[%multiple_of3A_149, %dma_wait3A_220] : memref<10000x128xf32, #tpu.memory_space<vmem_shared>> -> memref<80x128xf32, #tpu.memory_space<vmem_shared>>
      %dma_wait3A_222 = arith.constant 0 : i32
      %dma_wait3A_223 = tpu.memref_slice %arg9[%multiple_of3A_149, %dma_wait3A_222] : memref<10000x128xf32, #tpu.memory_space<vmem_shared>> -> memref<80x128xf32, #tpu.memory_space<vmem_shared>>
      %dma_wait3A_224 = arith.constant 0 : i32
      %dma_wait3A_225 = arith.constant 0 : i32
      %dma_wait3A_226 = tpu.memref_slice %arg8[%run_scoped3A_150, %dma_wait3A_224, %dma_wait3A_225] : memref<4x80x128xf32, #tpu.memory_space<vmem>> -> memref<1x80x128xf32, #tpu.memory_space<vmem>>
      %dma_wait3A_227 = tpu.memref_squeeze %dma_wait3A_226 : memref<1x80x128xf32, #tpu.memory_space<vmem>> -> memref<80x128xf32, #tpu.memory_space<vmem>>
      tpu.wait_dma2 semaphore(%run_scoped3A_203 : memref<!tpu.dma_semaphore, #tpu.memory_space<semaphore_mem>>) src(%dma_wait3A_227 : memref<80x128xf32, #tpu.memory_space<vmem>>) dst(%dma_wait3A_223 : memref<80x128xf32, #tpu.memory_space<vmem_shared>>)
      tpu.yield
    }) : () -> ()
    %add3A_151 = arith.constant 400 : i32
    %add3A_152 = arith.addi %add3A_132, %add3A_151 : i32
    %multiple_of3A_153 = tpu.assume_multiple %add3A_152, 8 : i32
    %run_scoped3A_154 = arith.constant 0 : i32
    "tpu.region"() ({
      %run_scoped3A_203 = tpu.sem_alloc : memref<!tpu.dma_semaphore, #tpu.memory_space<semaphore_mem>>
      %dma_start3A_204 = arith.constant 0 : i32
      %dma_start3A_205 = arith.constant 0 : i32
      %dma_start3A_206 = tpu.memref_slice %arg8[%run_scoped3A_154, %dma_start3A_204, %dma_start3A_205] : memref<4x80x128xf32, #tpu.memory_space<vmem>> -> memref<1x80x128xf32, #tpu.memory_space<vmem>>
      %dma_start3A_207 = tpu.memref_squeeze %dma_start3A_206 : memref<1x80x128xf32, #tpu.memory_space<vmem>> -> memref<80x128xf32, #tpu.memory_space<vmem>>
      %dma_start3A_208 = arith.constant 0 : i32
      %dma_start3A_209 = tpu.memref_slice %arg9[%multiple_of3A_153, %dma_start3A_208] : memref<10000x128xf32, #tpu.memory_space<vmem_shared>> -> memref<80x128xf32, #tpu.memory_space<vmem_shared>>
      %dma_start3A_210 = arith.constant 0 : i32
      %dma_start3A_211 = tpu.memref_slice %arg9[%multiple_of3A_153, %dma_start3A_210] : memref<10000x128xf32, #tpu.memory_space<vmem_shared>> -> memref<80x128xf32, #tpu.memory_space<vmem_shared>>
      %dma_start3A_212 = arith.constant 0 : i32
      %dma_start3A_213 = arith.constant 0 : i32
      %dma_start3A_214 = tpu.memref_slice %arg8[%run_scoped3A_154, %dma_start3A_212, %dma_start3A_213] : memref<4x80x128xf32, #tpu.memory_space<vmem>> -> memref<1x80x128xf32, #tpu.memory_space<vmem>>
      %dma_start3A_215 = tpu.memref_squeeze %dma_start3A_214 : memref<1x80x128xf32, #tpu.memory_space<vmem>> -> memref<80x128xf32, #tpu.memory_space<vmem>>
      tpu.enqueue_dma source(%dma_start3A_215 : memref<80x128xf32, #tpu.memory_space<vmem>>) target(%dma_start3A_211 : memref<80x128xf32, #tpu.memory_space<vmem_shared>>) target_semaphore(%run_scoped3A_203 : memref<!tpu.dma_semaphore, #tpu.memory_space<semaphore_mem>>)
      %dma_wait3A_216 = arith.constant 0 : i32
      %dma_wait3A_217 = arith.constant 0 : i32
      %dma_wait3A_218 = tpu.memref_slice %arg8[%run_scoped3A_154, %dma_wait3A_216, %dma_wait3A_217] : memref<4x80x128xf32, #tpu.memory_space<vmem>> -> memref<1x80x128xf32, #tpu.memory_space<vmem>>
      %dma_wait3A_219 = tpu.memref_squeeze %dma_wait3A_218 : memref<1x80x128xf32, #tpu.memory_space<vmem>> -> memref<80x128xf32, #tpu.memory_space<vmem>>
      %dma_wait3A_220 = arith.constant 0 : i32
      %dma_wait3A_221 = tpu.memref_slice %arg9[%multiple_of3A_153, %dma_wait3A_220] : memref<10000x128xf32, #tpu.memory_space<vmem_shared>> -> memref<80x128xf32, #tpu.memory_space<vmem_shared>>
      %dma_wait3A_222 = arith.constant 0 : i32
      %dma_wait3A_223 = tpu.memref_slice %arg9[%multiple_of3A_153, %dma_wait3A_222] : memref<10000x128xf32, #tpu.memory_space<vmem_shared>> -> memref<80x128xf32, #tpu.memory_space<vmem_shared>>
      %dma_wait3A_224 = arith.constant 0 : i32
      %dma_wait3A_225 = arith.constant 0 : i32
      %dma_wait3A_226 = tpu.memref_slice %arg8[%run_scoped3A_154, %dma_wait3A_224, %dma_wait3A_225] : memref<4x80x128xf32, #tpu.memory_space<vmem>> -> memref<1x80x128xf32, #tpu.memory_space<vmem>>
      %dma_wait3A_227 = tpu.memref_squeeze %dma_wait3A_226 : memref<1x80x128xf32, #tpu.memory_space<vmem>> -> memref<80x128xf32, #tpu.memory_space<vmem>>
      tpu.wait_dma2 semaphore(%run_scoped3A_203 : memref<!tpu.dma_semaphore, #tpu.memory_space<semaphore_mem>>) src(%dma_wait3A_227 : memref<80x128xf32, #tpu.memory_space<vmem>>) dst(%dma_wait3A_223 : memref<80x128xf32, #tpu.memory_space<vmem_shared>>)
      tpu.yield
    }) : () -> ()
    %add3A_155 = arith.constant 480 : i32
    %add3A_156 = arith.addi %add3A_132, %add3A_155 : i32
    %multiple_of3A_157 = tpu.assume_multiple %add3A_156, 8 : i32
    %run_scoped3A_158 = arith.constant 0 : i32
    "tpu.region"() ({
      %run_scoped3A_203 = tpu.sem_alloc : memref<!tpu.dma_semaphore, #tpu.memory_space<semaphore_mem>>
      %dma_start3A_204 = arith.constant 0 : i32
      %dma_start3A_205 = arith.constant 0 : i32
      %dma_start3A_206 = tpu.memref_slice %arg8[%run_scoped3A_158, %dma_start3A_204, %dma_start3A_205] : memref<4x80x128xf32, #tpu.memory_space<vmem>> -> memref<1x80x128xf32, #tpu.memory_space<vmem>>
      %dma_start3A_207 = tpu.memref_squeeze %dma_start3A_206 : memref<1x80x128xf32, #tpu.memory_space<vmem>> -> memref<80x128xf32, #tpu.memory_space<vmem>>
      %dma_start3A_208 = arith.constant 0 : i32
      %dma_start3A_209 = tpu.memref_slice %arg9[%multiple_of3A_157, %dma_start3A_208] : memref<10000x128xf32, #tpu.memory_space<vmem_shared>> -> memref<80x128xf32, #tpu.memory_space<vmem_shared>>
      %dma_start3A_210 = arith.constant 0 : i32
      %dma_start3A_211 = tpu.memref_slice %arg9[%multiple_of3A_157, %dma_start3A_210] : memref<10000x128xf32, #tpu.memory_space<vmem_shared>> -> memref<80x128xf32, #tpu.memory_space<vmem_shared>>
      %dma_start3A_212 = arith.constant 0 : i32
      %dma_start3A_213 = arith.constant 0 : i32
      %dma_start3A_214 = tpu.memref_slice %arg8[%run_scoped3A_158, %dma_start3A_212, %dma_start3A_213] : memref<4x80x128xf32, #tpu.memory_space<vmem>> -> memref<1x80x128xf32, #tpu.memory_space<vmem>>
      %dma_start3A_215 = tpu.memref_squeeze %dma_start3A_214 : memref<1x80x128xf32, #tpu.memory_space<vmem>> -> memref<80x128xf32, #tpu.memory_space<vmem>>
      tpu.enqueue_dma source(%dma_start3A_215 : memref<80x128xf32, #tpu.memory_space<vmem>>) target(%dma_start3A_211 : memref<80x128xf32, #tpu.memory_space<vmem_shared>>) target_semaphore(%run_scoped3A_203 : memref<!tpu.dma_semaphore, #tpu.memory_space<semaphore_mem>>)
      %dma_wait3A_216 = arith.constant 0 : i32
      %dma_wait3A_217 = arith.constant 0 : i32
      %dma_wait3A_218 = tpu.memref_slice %arg8[%run_scoped3A_158, %dma_wait3A_216, %dma_wait3A_217] : memref<4x80x128xf32, #tpu.memory_space<vmem>> -> memref<1x80x128xf32, #tpu.memory_space<vmem>>
      %dma_wait3A_219 = tpu.memref_squeeze %dma_wait3A_218 : memref<1x80x128xf32, #tpu.memory_space<vmem>> -> memref<80x128xf32, #tpu.memory_space<vmem>>
      %dma_wait3A_220 = arith.constant 0 : i32
      %dma_wait3A_221 = tpu.memref_slice %arg9[%multiple_of3A_157, %dma_wait3A_220] : memref<10000x128xf32, #tpu.memory_space<vmem_shared>> -> memref<80x128xf32, #tpu.memory_space<vmem_shared>>
      %dma_wait3A_222 = arith.constant 0 : i32
      %dma_wait3A_223 = tpu.memref_slice %arg9[%multiple_of3A_157, %dma_wait3A_222] : memref<10000x128xf32, #tpu.memory_space<vmem_shared>> -> memref<80x128xf32, #tpu.memory_space<vmem_shared>>
      %dma_wait3A_224 = arith.constant 0 : i32
      %dma_wait3A_225 = arith.constant 0 : i32
      %dma_wait3A_226 = tpu.memref_slice %arg8[%run_scoped3A_158, %dma_wait3A_224, %dma_wait3A_225] : memref<4x80x128xf32, #tpu.memory_space<vmem>> -> memref<1x80x128xf32, #tpu.memory_space<vmem>>
      %dma_wait3A_227 = tpu.memref_squeeze %dma_wait3A_226 : memref<1x80x128xf32, #tpu.memory_space<vmem>> -> memref<80x128xf32, #tpu.memory_space<vmem>>
      tpu.wait_dma2 semaphore(%run_scoped3A_203 : memref<!tpu.dma_semaphore, #tpu.memory_space<semaphore_mem>>) src(%dma_wait3A_227 : memref<80x128xf32, #tpu.memory_space<vmem>>) dst(%dma_wait3A_223 : memref<80x128xf32, #tpu.memory_space<vmem_shared>>)
      tpu.yield
    }) : () -> ()
    %add3A_159 = arith.constant 560 : i32
    %add3A_160 = arith.addi %add3A_132, %add3A_159 : i32
    %multiple_of3A_161 = tpu.assume_multiple %add3A_160, 8 : i32
    %run_scoped3A_162 = arith.constant 0 : i32
    "tpu.region"() ({
      %run_scoped3A_203 = tpu.sem_alloc : memref<!tpu.dma_semaphore, #tpu.memory_space<semaphore_mem>>
      %dma_start3A_204 = arith.constant 0 : i32
      %dma_start3A_205 = arith.constant 0 : i32
      %dma_start3A_206 = tpu.memref_slice %arg8[%run_scoped3A_162, %dma_start3A_204, %dma_start3A_205] : memref<4x80x128xf32, #tpu.memory_space<vmem>> -> memref<1x80x128xf32, #tpu.memory_space<vmem>>
      %dma_start3A_207 = tpu.memref_squeeze %dma_start3A_206 : memref<1x80x128xf32, #tpu.memory_space<vmem>> -> memref<80x128xf32, #tpu.memory_space<vmem>>
      %dma_start3A_208 = arith.constant 0 : i32
      %dma_start3A_209 = arith.constant 0 : i32
      %dma_start3A_210 = tpu.memref_slice %dma_start3A_207[%dma_start3A_208, %dma_start3A_209] : memref<80x128xf32, #tpu.memory_space<vmem>> -> memref<64x128xf32, #tpu.memory_space<vmem>>
      %dma_start3A_211 = arith.constant 0 : i32
      %dma_start3A_212 = tpu.memref_slice %arg9[%multiple_of3A_161, %dma_start3A_211] : memref<10000x128xf32, #tpu.memory_space<vmem_shared>> -> memref<64x128xf32, #tpu.memory_space<vmem_shared>>
      %dma_start3A_213 = arith.constant 0 : i32
      %dma_start3A_214 = tpu.memref_slice %arg9[%multiple_of3A_161, %dma_start3A_213] : memref<10000x128xf32, #tpu.memory_space<vmem_shared>> -> memref<64x128xf32, #tpu.memory_space<vmem_shared>>
      %dma_start3A_215 = arith.constant 0 : i32
      %dma_start3A_216 = arith.constant 0 : i32
      %dma_start3A_217 = tpu.memref_slice %arg8[%run_scoped3A_162, %dma_start3A_215, %dma_start3A_216] : memref<4x80x128xf32, #tpu.memory_space<vmem>> -> memref<1x80x128xf32, #tpu.memory_space<vmem>>
      %dma_start3A_218 = tpu.memref_squeeze %dma_start3A_217 : memref<1x80x128xf32, #tpu.memory_space<vmem>> -> memref<80x128xf32, #tpu.memory_space<vmem>>
      %dma_start3A_219 = arith.constant 0 : i32
      %dma_start3A_220 = arith.constant 0 : i32
      %dma_start3A_221 = tpu.memref_slice %dma_start3A_218[%dma_start3A_219, %dma_start3A_220] : memref<80x128xf32, #tpu.memory_space<vmem>> -> memref<64x128xf32, #tpu.memory_space<vmem>>
      tpu.enqueue_dma source(%dma_start3A_221 : memref<64x128xf32, #tpu.memory_space<vmem>>) target(%dma_start3A_214 : memref<64x128xf32, #tpu.memory_space<vmem_shared>>) target_semaphore(%run_scoped3A_203 : memref<!tpu.dma_semaphore, #tpu.memory_space<semaphore_mem>>)
      %dma_wait3A_222 = arith.constant 0 : i32
      %dma_wait3A_223 = arith.constant 0 : i32
      %dma_wait3A_224 = tpu.memref_slice %arg8[%run_scoped3A_162, %dma_wait3A_222, %dma_wait3A_223] : memref<4x80x128xf32, #tpu.memory_space<vmem>> -> memref<1x80x128xf32, #tpu.memory_space<vmem>>
      %dma_wait3A_225 = tpu.memref_squeeze %dma_wait3A_224 : memref<1x80x128xf32, #tpu.memory_space<vmem>> -> memref<80x128xf32, #tpu.memory_space<vmem>>
      %dma_wait3A_226 = arith.constant 0 : i32
      %dma_wait3A_227 = arith.constant 0 : i32
      %dma_wait3A_228 = tpu.memref_slice %dma_wait3A_225[%dma_wait3A_226, %dma_wait3A_227] : memref<80x128xf32, #tpu.memory_space<vmem>> -> memref<64x128xf32, #tpu.memory_space<vmem>>
      %dma_wait3A_229 = arith.constant 0 : i32
      %dma_wait3A_230 = tpu.memref_slice %arg9[%multiple_of3A_161, %dma_wait3A_229] : memref<10000x128xf32, #tpu.memory_space<vmem_shared>> -> memref<64x128xf32, #tpu.memory_space<vmem_shared>>
      %dma_wait3A_231 = arith.constant 0 : i32
      %dma_wait3A_232 = tpu.memref_slice %arg9[%multiple_of3A_161, %dma_wait3A_231] : memref<10000x128xf32, #tpu.memory_space<vmem_shared>> -> memref<64x128xf32, #tpu.memory_space<vmem_shared>>
      %dma_wait3A_233 = arith.constant 0 : i32
      %dma_wait3A_234 = arith.constant 0 : i32
      %dma_wait3A_235 = tpu.memref_slice %arg8[%run_scoped3A_162, %dma_wait3A_233, %dma_wait3A_234] : memref<4x80x128xf32, #tpu.memory_space<vmem>> -> memref<1x80x128xf32, #tpu.memory_space<vmem>>
      %dma_wait3A_236 = tpu.memref_squeeze %dma_wait3A_235 : memref<1x80x128xf32, #tpu.memory_space<vmem>> -> memref<80x128xf32, #tpu.memory_space<vmem>>
      %dma_wait3A_237 = arith.constant 0 : i32
      %dma_wait3A_238 = arith.constant 0 : i32
      %dma_wait3A_239 = tpu.memref_slice %dma_wait3A_236[%dma_wait3A_237, %dma_wait3A_238] : memref<80x128xf32, #tpu.memory_space<vmem>> -> memref<64x128xf32, #tpu.memory_space<vmem>>
      tpu.wait_dma2 semaphore(%run_scoped3A_203 : memref<!tpu.dma_semaphore, #tpu.memory_space<semaphore_mem>>) src(%dma_wait3A_239 : memref<64x128xf32, #tpu.memory_space<vmem>>) dst(%dma_wait3A_232 : memref<64x128xf32, #tpu.memory_space<vmem_shared>>)
      tpu.yield
    }) : () -> ()
    %lt3A = arith.constant 1 : i32
    %lt3A_163 = arith.cmpi slt, %arg1, %lt3A : i32
    %convert_element_type3A = arith.extui %lt3A_163 : i1 to i32
    %cond3A = arith.constant 0 : i32
    %cond3A_164 = arith.constant 0 : i32
    %cond3A_165 = arith.cmpi ne, %convert_element_type3A, %cond3A_164 : i32
    scf.if %cond3A_165 {
      %add3A_203 = arith.constant 624 : i32
      %add3A_204 = arith.addi %add3A_132, %add3A_203 : i32
      %multiple_of3A_205 = tpu.assume_multiple %add3A_204, 16 : i32
      "tpu.region"() ({
        %run_scoped3A_206 = tpu.sem_alloc : memref<!tpu.dma_semaphore, #tpu.memory_space<semaphore_mem>>
        %dma_start3A_207 = arith.constant 0 : i32
        %dma_start3A_208 = arith.constant 0 : i32
        %dma_start3A_209 = tpu.memref_slice %arg8[%cond3A, %dma_start3A_207, %dma_start3A_208] : memref<4x80x128xf32, #tpu.memory_space<vmem>> -> memref<1x80x128xf32, #tpu.memory_space<vmem>>
        %dma_start3A_210 = tpu.memref_squeeze %dma_start3A_209 : memref<1x80x128xf32, #tpu.memory_space<vmem>> -> memref<80x128xf32, #tpu.memory_space<vmem>>
        %dma_start3A_211 = arith.constant 0 : i32
        %dma_start3A_212 = arith.constant 0 : i32
        %dma_start3A_213 = tpu.memref_slice %dma_start3A_210[%dma_start3A_211, %dma_start3A_212] : memref<80x128xf32, #tpu.memory_space<vmem>> -> memref<16x128xf32, #tpu.memory_space<vmem>>
        %dma_start3A_214 = arith.constant 0 : i32
        %dma_start3A_215 = tpu.memref_slice %arg9[%multiple_of3A_205, %dma_start3A_214] : memref<10000x128xf32, #tpu.memory_space<vmem_shared>> -> memref<16x128xf32, #tpu.memory_space<vmem_shared>>
        %dma_start3A_216 = arith.constant 0 : i32
        %dma_start3A_217 = tpu.memref_slice %arg9[%multiple_of3A_205, %dma_start3A_216] : memref<10000x128xf32, #tpu.memory_space<vmem_shared>> -> memref<16x128xf32, #tpu.memory_space<vmem_shared>>
        %dma_start3A_218 = arith.constant 0 : i32
        %dma_start3A_219 = arith.constant 0 : i32
        %dma_start3A_220 = tpu.memref_slice %arg8[%cond3A, %dma_start3A_218, %dma_start3A_219] : memref<4x80x128xf32, #tpu.memory_space<vmem>> -> memref<1x80x128xf32, #tpu.memory_space<vmem>>
        %dma_start3A_221 = tpu.memref_squeeze %dma_start3A_220 : memref<1x80x128xf32, #tpu.memory_space<vmem>> -> memref<80x128xf32, #tpu.memory_space<vmem>>
        %dma_start3A_222 = arith.constant 0 : i32
        %dma_start3A_223 = arith.constant 0 : i32
        %dma_start3A_224 = tpu.memref_slice %dma_start3A_221[%dma_start3A_222, %dma_start3A_223] : memref<80x128xf32, #tpu.memory_space<vmem>> -> memref<16x128xf32, #tpu.memory_space<vmem>>
        tpu.enqueue_dma source(%dma_start3A_224 : memref<16x128xf32, #tpu.memory_space<vmem>>) target(%dma_start3A_217 : memref<16x128xf32, #tpu.memory_space<vmem_shared>>) target_semaphore(%run_scoped3A_206 : memref<!tpu.dma_semaphore, #tpu.memory_space<semaphore_mem>>)
        %dma_wait3A_225 = arith.constant 0 : i32
        %dma_wait3A_226 = arith.constant 0 : i32
        %dma_wait3A_227 = tpu.memref_slice %arg8[%cond3A, %dma_wait3A_225, %dma_wait3A_226] : memref<4x80x128xf32, #tpu.memory_space<vmem>> -> memref<1x80x128xf32, #tpu.memory_space<vmem>>
        %dma_wait3A_228 = tpu.memref_squeeze %dma_wait3A_227 : memref<1x80x128xf32, #tpu.memory_space<vmem>> -> memref<80x128xf32, #tpu.memory_space<vmem>>
        %dma_wait3A_229 = arith.constant 0 : i32
        %dma_wait3A_230 = arith.constant 0 : i32
        %dma_wait3A_231 = tpu.memref_slice %dma_wait3A_228[%dma_wait3A_229, %dma_wait3A_230] : memref<80x128xf32, #tpu.memory_space<vmem>> -> memref<16x128xf32, #tpu.memory_space<vmem>>
        %dma_wait3A_232 = arith.constant 0 : i32
        %dma_wait3A_233 = tpu.memref_slice %arg9[%multiple_of3A_205, %dma_wait3A_232] : memref<10000x128xf32, #tpu.memory_space<vmem_shared>> -> memref<16x128xf32, #tpu.memory_space<vmem_shared>>
        %dma_wait3A_234 = arith.constant 0 : i32
        %dma_wait3A_235 = tpu.memref_slice %arg9[%multiple_of3A_205, %dma_wait3A_234] : memref<10000x128xf32, #tpu.memory_space<vmem_shared>> -> memref<16x128xf32, #tpu.memory_space<vmem_shared>>
        %dma_wait3A_236 = arith.constant 0 : i32
        %dma_wait3A_237 = arith.constant 0 : i32
        %dma_wait3A_238 = tpu.memref_slice %arg8[%cond3A, %dma_wait3A_236, %dma_wait3A_237] : memref<4x80x128xf32, #tpu.memory_space<vmem>> -> memref<1x80x128xf32, #tpu.memory_space<vmem>>
        %dma_wait3A_239 = tpu.memref_squeeze %dma_wait3A_238 : memref<1x80x128xf32, #tpu.memory_space<vmem>> -> memref<80x128xf32, #tpu.memory_space<vmem>>
        %dma_wait3A_240 = arith.constant 0 : i32
        %dma_wait3A_241 = arith.constant 0 : i32
        %dma_wait3A_242 = tpu.memref_slice %dma_wait3A_239[%dma_wait3A_240, %dma_wait3A_241] : memref<80x128xf32, #tpu.memory_space<vmem>> -> memref<16x128xf32, #tpu.memory_space<vmem>>
        tpu.wait_dma2 semaphore(%run_scoped3A_206 : memref<!tpu.dma_semaphore, #tpu.memory_space<semaphore_mem>>) src(%dma_wait3A_242 : memref<16x128xf32, #tpu.memory_space<vmem>>) dst(%dma_wait3A_235 : memref<16x128xf32, #tpu.memory_space<vmem_shared>>)
        tpu.yield
      }) : () -> ()
    } else {
    }
    %barrier3A = arith.constant 0 : index
    tpu.barrier barrier_id(%barrier3A)
    %scan3A_166 = arith.constant 0 : i32
    %scan3A_167 = arith.constant 0 : i32
    %scan3A_168 = arith.constant 125 : i32
    %scan3A_169 = arith.addi %scan3A_167, %scan3A_168 : i32
    %scan3A_170 = arith.constant 1 : i32
    scf.for %scan3A_203 = %scan3A_167 to %scan3A_169 step %scan3A_170  : i32 {
      %add3A_204 = arith.constant 2 : i32
      %add3A_205 = arith.addi %scan3A_203, %add3A_204 : i32
      %rem3A = arith.constant 4 : i32
      %rem3A_206 = arith.remsi %add3A_205, %rem3A : i32
      %rem3A_207 = arith.constant 4 : i32
      %rem3A_208 = arith.remsi %scan3A_203, %rem3A_207 : i32
      %ge3A = arith.constant 2 : i32
      %ge3A_209 = arith.cmpi sge, %scan3A_203, %ge3A : i32
      %convert_element_type3A_210 = arith.extui %ge3A_209 : i1 to i32
      %cond3A_211 = arith.constant 0 : i32
      %cond3A_212 = arith.cmpi ne, %convert_element_type3A_210, %cond3A_211 : i32
      scf.if %cond3A_212 {
        %dma_wait3A_259 = arith.constant 0 : i32
        %dma_wait3A_260 = arith.constant 0 : i32
        %dma_wait3A_261 = tpu.memref_slice %arg8[%rem3A_208, %dma_wait3A_259, %dma_wait3A_260] : memref<4x80x128xf32, #tpu.memory_space<vmem>> -> memref<1x80x128xf32, #tpu.memory_space<vmem>>
        %dma_wait3A_262 = tpu.memref_squeeze %dma_wait3A_261 : memref<1x80x128xf32, #tpu.memory_space<vmem>> -> memref<80x128xf32, #tpu.memory_space<vmem>>
        %dma_wait3A_263 = arith.constant 0 : i32
        %dma_wait3A_264 = tpu.memref_slice %arg7[%rem3A_208, %dma_wait3A_263] : memref<4x80xi32, #tpu.memory_space<vmem>> -> memref<1x80xi32, #tpu.memory_space<vmem>>
        %dma_wait3A_265 = tpu.memref_squeeze %dma_wait3A_264 : memref<1x80xi32, #tpu.memory_space<vmem>> -> memref<80xi32, #tpu.memory_space<vmem>>
        %dma_wait3A_266 = arith.constant 0 : i32
        %dma_wait3A_267 = arith.constant 0 : i32
        %dma_wait3A_268 = tpu.memref_slice %arg9[%dma_wait3A_266, %dma_wait3A_267] : memref<10000x128xf32, #tpu.memory_space<vmem_shared>> -> memref<10000x128xf32, #tpu.memory_space<vmem_shared>>
        tpu.wait_indirect_dma semaphore(%arg13 : memref<!tpu.dma_semaphore, #tpu.memory_space<semaphore_mem>>) src(%dma_wait3A_262 : memref<80x128xf32, #tpu.memory_space<vmem>>) dst(%dma_wait3A_268 : memref<10000x128xf32, #tpu.memory_space<vmem_shared>>)
      } else {
      }
      %add3A_213 = arith.constant 2 : i32
      %add3A_214 = arith.addi %scan3A_203, %add3A_213 : i32
      %lt3A_215 = arith.constant 125 : i32
      %lt3A_216 = arith.cmpi slt, %add3A_214, %lt3A_215 : i32
      %convert_element_type3A_217 = arith.extui %lt3A_216 : i1 to i32
      %cond3A_218 = arith.constant 0 : i32
      %cond3A_219 = arith.cmpi ne, %convert_element_type3A_217, %cond3A_218 : i32
      scf.if %cond3A_219 {
        %add3A_259 = arith.constant 2 : i32
        %add3A_260 = arith.addi %scan3A_203, %add3A_259 : i32
        %dma_wait3A_261 = arith.constant 0 : i32
        %dma_wait3A_262 = tpu.memref_slice %arg6[%rem3A_208, %dma_wait3A_261] : memref<4x80xi32, #tpu.memory_space<vmem>> -> memref<1x80xi32, #tpu.memory_space<vmem>>
        %dma_wait3A_263 = tpu.memref_squeeze %dma_wait3A_262 : memref<1x80xi32, #tpu.memory_space<vmem>> -> memref<80xi32, #tpu.memory_space<vmem>>
        %dma_wait3A_264 = arith.constant 0 : i32
        %dma_wait3A_265 = tpu.memref_slice %arg2[%add3A, %add3A_260, %dma_wait3A_264] : memref<32x125x80xi32, #tpu.memory_space<hbm>> -> memref<1x1x80xi32, #tpu.memory_space<hbm>>
        %dma_wait3A_266 = tpu.memref_squeeze %dma_wait3A_265 : memref<1x1x80xi32, #tpu.memory_space<hbm>> -> memref<80xi32, #tpu.memory_space<hbm>>
        %dma_wait3A_267 = arith.constant 0 : i32
        %dma_wait3A_268 = tpu.memref_slice %arg6[%rem3A_208, %dma_wait3A_267] : memref<4x80xi32, #tpu.memory_space<vmem>> -> memref<1x80xi32, #tpu.memory_space<vmem>>
        %dma_wait3A_269 = tpu.memref_squeeze %dma_wait3A_268 : memref<1x80xi32, #tpu.memory_space<vmem>> -> memref<80xi32, #tpu.memory_space<vmem>>
        %dma_wait3A_270 = arith.constant 0 : i32
        %dma_wait3A_271 = tpu.memref_slice %arg2[%add3A, %add3A_260, %dma_wait3A_270] : memref<32x125x80xi32, #tpu.memory_space<hbm>> -> memref<1x1x80xi32, #tpu.memory_space<hbm>>
        %dma_wait3A_272 = tpu.memref_squeeze %dma_wait3A_271 : memref<1x1x80xi32, #tpu.memory_space<hbm>> -> memref<80xi32, #tpu.memory_space<hbm>>
        tpu.wait_dma2 semaphore(%arg11 : memref<!tpu.dma_semaphore, #tpu.memory_space<semaphore_mem>>) src(%dma_wait3A_272 : memref<80xi32, #tpu.memory_space<hbm>>) dst(%dma_wait3A_269 : memref<80xi32, #tpu.memory_space<vmem>>)
        %dma_start3A_273 = arith.constant 0 : i32
        %dma_start3A_274 = arith.constant 0 : i32
        %dma_start3A_275 = tpu.memref_slice %arg8[%rem3A_208, %dma_start3A_273, %dma_start3A_274] : memref<4x80x128xf32, #tpu.memory_space<vmem>> -> memref<1x80x128xf32, #tpu.memory_space<vmem>>
        %dma_start3A_276 = tpu.memref_squeeze %dma_start3A_275 : memref<1x80x128xf32, #tpu.memory_space<vmem>> -> memref<80x128xf32, #tpu.memory_space<vmem>>
        %dma_start3A_277 = arith.constant 0 : i32
        %dma_start3A_278 = tpu.memref_slice %arg6[%rem3A_208, %dma_start3A_277] : memref<4x80xi32, #tpu.memory_space<vmem>> -> memref<1x80xi32, #tpu.memory_space<vmem>>
        %dma_start3A_279 = tpu.memref_squeeze %dma_start3A_278 : memref<1x80xi32, #tpu.memory_space<vmem>> -> memref<80xi32, #tpu.memory_space<vmem>>
        %dma_start3A_280 = arith.constant 0 : i32
        %dma_start3A_281 = arith.constant 0 : i32
        %dma_start3A_282 = tpu.memref_slice %arg4[%dma_start3A_280, %dma_start3A_281] : memref<10000x128xf32, #tpu.memory_space<hbm>> -> memref<10000x128xf32, #tpu.memory_space<hbm>>
        tpu.enqueue_indirect_dma source(%dma_start3A_282 : memref<10000x128xf32, #tpu.memory_space<hbm>>) target(%dma_start3A_276 : memref<80x128xf32, #tpu.memory_space<vmem>>) offsets(%dma_start3A_279 : memref<80xi32, #tpu.memory_space<vmem>>) semaphore(%arg10 : memref<!tpu.dma_semaphore, #tpu.memory_space<semaphore_mem>>)
        %add3A_283 = arith.constant 2 : i32
        %add3A_284 = arith.addi %scan3A_203, %add3A_283 : i32
        %dma_start3A_285 = arith.constant 0 : i32
        %dma_start3A_286 = tpu.memref_slice %arg7[%rem3A_208, %dma_start3A_285] : memref<4x80xi32, #tpu.memory_space<vmem>> -> memref<1x80xi32, #tpu.memory_space<vmem>>
        %dma_start3A_287 = tpu.memref_squeeze %dma_start3A_286 : memref<1x80xi32, #tpu.memory_space<vmem>> -> memref<80xi32, #tpu.memory_space<vmem>>
        %dma_start3A_288 = arith.constant 0 : i32
        %dma_start3A_289 = tpu.memref_slice %arg3[%add3A, %add3A_284, %dma_start3A_288] : memref<32x125x80xi32, #tpu.memory_space<hbm>> -> memref<1x1x80xi32, #tpu.memory_space<hbm>>
        %dma_start3A_290 = tpu.memref_squeeze %dma_start3A_289 : memref<1x1x80xi32, #tpu.memory_space<hbm>> -> memref<80xi32, #tpu.memory_space<hbm>>
        %dma_start3A_291 = arith.constant 0 : i32
        %dma_start3A_292 = tpu.memref_slice %arg7[%rem3A_208, %dma_start3A_291] : memref<4x80xi32, #tpu.memory_space<vmem>> -> memref<1x80xi32, #tpu.memory_space<vmem>>
        %dma_start3A_293 = tpu.memref_squeeze %dma_start3A_292 : memref<1x80xi32, #tpu.memory_space<vmem>> -> memref<80xi32, #tpu.memory_space<vmem>>
        %dma_start3A_294 = arith.constant 0 : i32
        %dma_start3A_295 = tpu.memref_slice %arg3[%add3A, %add3A_284, %dma_start3A_294] : memref<32x125x80xi32, #tpu.memory_space<hbm>> -> memref<1x1x80xi32, #tpu.memory_space<hbm>>
        %dma_start3A_296 = tpu.memref_squeeze %dma_start3A_295 : memref<1x1x80xi32, #tpu.memory_space<hbm>> -> memref<80xi32, #tpu.memory_space<hbm>>
        tpu.enqueue_dma source(%dma_start3A_296 : memref<80xi32, #tpu.memory_space<hbm>>) target(%dma_start3A_293 : memref<80xi32, #tpu.memory_space<vmem>>) target_semaphore(%arg12 : memref<!tpu.dma_semaphore, #tpu.memory_space<semaphore_mem>>)
      } else {
      }
      %add3A_220 = arith.constant 3 : i32
      %add3A_221 = arith.addi %scan3A_203, %add3A_220 : i32
      %lt3A_222 = arith.constant 125 : i32
      %lt3A_223 = arith.cmpi slt, %add3A_221, %lt3A_222 : i32
      %convert_element_type3A_224 = arith.extui %lt3A_223 : i1 to i32
      %cond3A_225 = arith.constant 0 : i32
      %cond3A_226 = arith.cmpi ne, %convert_element_type3A_224, %cond3A_225 : i32
      scf.if %cond3A_226 {
        %add3A_259 = arith.constant 3 : i32
        %add3A_260 = arith.addi %scan3A_203, %add3A_259 : i32
        %add3A_261 = arith.constant 1 : i32
        %add3A_262 = arith.addi %scan3A_203, %add3A_261 : i32
        %rem3A_263 = arith.constant 4 : i32
        %rem3A_264 = arith.remsi %add3A_262, %rem3A_263 : i32
        %dma_start3A_265 = arith.constant 0 : i32
        %dma_start3A_266 = tpu.memref_slice %arg6[%rem3A_264, %dma_start3A_265] : memref<4x80xi32, #tpu.memory_space<vmem>> -> memref<1x80xi32, #tpu.memory_space<vmem>>
        %dma_start3A_267 = tpu.memref_squeeze %dma_start3A_266 : memref<1x80xi32, #tpu.memory_space<vmem>> -> memref<80xi32, #tpu.memory_space<vmem>>
        %dma_start3A_268 = arith.constant 0 : i32
        %dma_start3A_269 = tpu.memref_slice %arg2[%add3A, %add3A_260, %dma_start3A_268] : memref<32x125x80xi32, #tpu.memory_space<hbm>> -> memref<1x1x80xi32, #tpu.memory_space<hbm>>
        %dma_start3A_270 = tpu.memref_squeeze %dma_start3A_269 : memref<1x1x80xi32, #tpu.memory_space<hbm>> -> memref<80xi32, #tpu.memory_space<hbm>>
        %dma_start3A_271 = arith.constant 0 : i32
        %dma_start3A_272 = tpu.memref_slice %arg6[%rem3A_264, %dma_start3A_271] : memref<4x80xi32, #tpu.memory_space<vmem>> -> memref<1x80xi32, #tpu.memory_space<vmem>>
        %dma_start3A_273 = tpu.memref_squeeze %dma_start3A_272 : memref<1x80xi32, #tpu.memory_space<vmem>> -> memref<80xi32, #tpu.memory_space<vmem>>
        %dma_start3A_274 = arith.constant 0 : i32
        %dma_start3A_275 = tpu.memref_slice %arg2[%add3A, %add3A_260, %dma_start3A_274] : memref<32x125x80xi32, #tpu.memory_space<hbm>> -> memref<1x1x80xi32, #tpu.memory_space<hbm>>
        %dma_start3A_276 = tpu.memref_squeeze %dma_start3A_275 : memref<1x1x80xi32, #tpu.memory_space<hbm>> -> memref<80xi32, #tpu.memory_space<hbm>>
        tpu.enqueue_dma source(%dma_start3A_276 : memref<80xi32, #tpu.memory_space<hbm>>) target(%dma_start3A_273 : memref<80xi32, #tpu.memory_space<vmem>>) target_semaphore(%arg11 : memref<!tpu.dma_semaphore, #tpu.memory_space<semaphore_mem>>)
      } else {
      }
      %dma_wait3A_227 = arith.constant 0 : i32
      %dma_wait3A_228 = arith.constant 0 : i32
      %dma_wait3A_229 = tpu.memref_slice %arg8[%rem3A_206, %dma_wait3A_227, %dma_wait3A_228] : memref<4x80x128xf32, #tpu.memory_space<vmem>> -> memref<1x80x128xf32, #tpu.memory_space<vmem>>
      %dma_wait3A_230 = tpu.memref_squeeze %dma_wait3A_229 : memref<1x80x128xf32, #tpu.memory_space<vmem>> -> memref<80x128xf32, #tpu.memory_space<vmem>>
      %dma_wait3A_231 = arith.constant 0 : i32
      %dma_wait3A_232 = tpu.memref_slice %arg6[%rem3A_206, %dma_wait3A_231] : memref<4x80xi32, #tpu.memory_space<vmem>> -> memref<1x80xi32, #tpu.memory_space<vmem>>
      %dma_wait3A_233 = tpu.memref_squeeze %dma_wait3A_232 : memref<1x80xi32, #tpu.memory_space<vmem>> -> memref<80xi32, #tpu.memory_space<vmem>>
      %dma_wait3A_234 = arith.constant 0 : i32
      %dma_wait3A_235 = arith.constant 0 : i32
      %dma_wait3A_236 = tpu.memref_slice %arg4[%dma_wait3A_234, %dma_wait3A_235] : memref<10000x128xf32, #tpu.memory_space<hbm>> -> memref<10000x128xf32, #tpu.memory_space<hbm>>
      tpu.wait_indirect_dma semaphore(%arg10 : memref<!tpu.dma_semaphore, #tpu.memory_space<semaphore_mem>>) src(%dma_wait3A_236 : memref<10000x128xf32, #tpu.memory_space<hbm>>) dst(%dma_wait3A_230 : memref<80x128xf32, #tpu.memory_space<vmem>>)
      %dma_wait3A_237 = arith.constant 0 : i32
      %dma_wait3A_238 = tpu.memref_slice %arg7[%rem3A_206, %dma_wait3A_237] : memref<4x80xi32, #tpu.memory_space<vmem>> -> memref<1x80xi32, #tpu.memory_space<vmem>>
      %dma_wait3A_239 = tpu.memref_squeeze %dma_wait3A_238 : memref<1x80xi32, #tpu.memory_space<vmem>> -> memref<80xi32, #tpu.memory_space<vmem>>
      %dma_wait3A_240 = arith.constant 0 : i32
      %dma_wait3A_241 = tpu.memref_slice %arg3[%add3A, %scan3A_203, %dma_wait3A_240] : memref<32x125x80xi32, #tpu.memory_space<hbm>> -> memref<1x1x80xi32, #tpu.memory_space<hbm>>
      %dma_wait3A_242 = tpu.memref_squeeze %dma_wait3A_241 : memref<1x1x80xi32, #tpu.memory_space<hbm>> -> memref<80xi32, #tpu.memory_space<hbm>>
      %dma_wait3A_243 = arith.constant 0 : i32
      %dma_wait3A_244 = tpu.memref_slice %arg7[%rem3A_206, %dma_wait3A_243] : memref<4x80xi32, #tpu.memory_space<vmem>> -> memref<1x80xi32, #tpu.memory_space<vmem>>
      %dma_wait3A_245 = tpu.memref_squeeze %dma_wait3A_244 : memref<1x80xi32, #tpu.memory_space<vmem>> -> memref<80xi32, #tpu.memory_space<vmem>>
      %dma_wait3A_246 = arith.constant 0 : i32
      %dma_wait3A_247 = tpu.memref_slice %arg3[%add3A, %scan3A_203, %dma_wait3A_246] : memref<32x125x80xi32, #tpu.memory_space<hbm>> -> memref<1x1x80xi32, #tpu.memory_space<hbm>>
      %dma_wait3A_248 = tpu.memref_squeeze %dma_wait3A_247 : memref<1x1x80xi32, #tpu.memory_space<hbm>> -> memref<80xi32, #tpu.memory_space<hbm>>
      tpu.wait_dma2 semaphore(%arg12 : memref<!tpu.dma_semaphore, #tpu.memory_space<semaphore_mem>>) src(%dma_wait3A_248 : memref<80xi32, #tpu.memory_space<hbm>>) dst(%dma_wait3A_245 : memref<80xi32, #tpu.memory_space<vmem>>)
      %dma_start3A_249 = arith.constant 0 : i32
      %dma_start3A_250 = arith.constant 0 : i32
      %dma_start3A_251 = tpu.memref_slice %arg8[%rem3A_206, %dma_start3A_249, %dma_start3A_250] : memref<4x80x128xf32, #tpu.memory_space<vmem>> -> memref<1x80x128xf32, #tpu.memory_space<vmem>>
      %dma_start3A_252 = tpu.memref_squeeze %dma_start3A_251 : memref<1x80x128xf32, #tpu.memory_space<vmem>> -> memref<80x128xf32, #tpu.memory_space<vmem>>
      %dma_start3A_253 = arith.constant 0 : i32
      %dma_start3A_254 = tpu.memref_slice %arg7[%rem3A_206, %dma_start3A_253] : memref<4x80xi32, #tpu.memory_space<vmem>> -> memref<1x80xi32, #tpu.memory_space<vmem>>
      %dma_start3A_255 = tpu.memref_squeeze %dma_start3A_254 : memref<1x80xi32, #tpu.memory_space<vmem>> -> memref<80xi32, #tpu.memory_space<vmem>>
      %dma_start3A_256 = arith.constant 0 : i32
      %dma_start3A_257 = arith.constant 0 : i32
      %dma_start3A_258 = tpu.memref_slice %arg9[%dma_start3A_256, %dma_start3A_257] : memref<10000x128xf32, #tpu.memory_space<vmem_shared>> -> memref<10000x128xf32, #tpu.memory_space<vmem_shared>>
      tpu.enqueue_indirect_dma source(%dma_start3A_252 : memref<80x128xf32, #tpu.memory_space<vmem>>) target(%dma_start3A_258 : memref<10000x128xf32, #tpu.memory_space<vmem_shared>>) offsets(%dma_start3A_255 : memref<80xi32, #tpu.memory_space<vmem>>) semaphore(%arg13 : memref<!tpu.dma_semaphore, #tpu.memory_space<semaphore_mem>>) {add = true}
    }
    %scan3A_171 = arith.constant 125 : i32
    %dma_wait3A_172 = arith.constant 1 : i32
    %dma_wait3A_173 = arith.constant 1 : i32
    %dma_wait3A_174 = arith.constant 0 : i32
    %dma_wait3A_175 = arith.constant 0 : i32
    %dma_wait3A_176 = tpu.memref_slice %arg8[%dma_wait3A_172, %dma_wait3A_174, %dma_wait3A_175] : memref<4x80x128xf32, #tpu.memory_space<vmem>> -> memref<1x80x128xf32, #tpu.memory_space<vmem>>
    %dma_wait3A_177 = tpu.memref_squeeze %dma_wait3A_176 : memref<1x80x128xf32, #tpu.memory_space<vmem>> -> memref<80x128xf32, #tpu.memory_space<vmem>>
    %dma_wait3A_178 = arith.constant 0 : i32
    %dma_wait3A_179 = tpu.memref_slice %arg7[%dma_wait3A_173, %dma_wait3A_178] : memref<4x80xi32, #tpu.memory_space<vmem>> -> memref<1x80xi32, #tpu.memory_space<vmem>>
    %dma_wait3A_180 = tpu.memref_squeeze %dma_wait3A_179 : memref<1x80xi32, #tpu.memory_space<vmem>> -> memref<80xi32, #tpu.memory_space<vmem>>
    %dma_wait3A_181 = arith.constant 0 : i32
    %dma_wait3A_182 = arith.constant 0 : i32
    %dma_wait3A_183 = tpu.memref_slice %arg9[%dma_wait3A_181, %dma_wait3A_182] : memref<10000x128xf32, #tpu.memory_space<vmem_shared>> -> memref<10000x128xf32, #tpu.memory_space<vmem_shared>>
    tpu.wait_indirect_dma semaphore(%arg13 : memref<!tpu.dma_semaphore, #tpu.memory_space<semaphore_mem>>) src(%dma_wait3A_177 : memref<80x128xf32, #tpu.memory_space<vmem>>) dst(%dma_wait3A_183 : memref<10000x128xf32, #tpu.memory_space<vmem_shared>>)
    %dma_wait3A_184 = arith.constant 2 : i32
    %dma_wait3A_185 = arith.constant 2 : i32
    %dma_wait3A_186 = arith.constant 0 : i32
    %dma_wait3A_187 = arith.constant 0 : i32
    %dma_wait3A_188 = tpu.memref_slice %arg8[%dma_wait3A_184, %dma_wait3A_186, %dma_wait3A_187] : memref<4x80x128xf32, #tpu.memory_space<vmem>> -> memref<1x80x128xf32, #tpu.memory_space<vmem>>
    %dma_wait3A_189 = tpu.memref_squeeze %dma_wait3A_188 : memref<1x80x128xf32, #tpu.memory_space<vmem>> -> memref<80x128xf32, #tpu.memory_space<vmem>>
    %dma_wait3A_190 = arith.constant 0 : i32
    %dma_wait3A_191 = tpu.memref_slice %arg7[%dma_wait3A_185, %dma_wait3A_190] : memref<4x80xi32, #tpu.memory_space<vmem>> -> memref<1x80xi32, #tpu.memory_space<vmem>>
    %dma_wait3A_192 = tpu.memref_squeeze %dma_wait3A_191 : memref<1x80xi32, #tpu.memory_space<vmem>> -> memref<80xi32, #tpu.memory_space<vmem>>
    %dma_wait3A_193 = arith.constant 0 : i32
    %dma_wait3A_194 = arith.constant 0 : i32
    %dma_wait3A_195 = tpu.memref_slice %arg9[%dma_wait3A_193, %dma_wait3A_194] : memref<10000x128xf32, #tpu.memory_space<vmem_shared>> -> memref<10000x128xf32, #tpu.memory_space<vmem_shared>>
    tpu.wait_indirect_dma semaphore(%arg13 : memref<!tpu.dma_semaphore, #tpu.memory_space<semaphore_mem>>) src(%dma_wait3A_189 : memref<80x128xf32, #tpu.memory_space<vmem>>) dst(%dma_wait3A_195 : memref<10000x128xf32, #tpu.memory_space<vmem_shared>>)
    %barrier3A_196 = arith.constant 0 : index
    tpu.barrier barrier_id(%barrier3A_196)
    %multiple_of3A_197 = tpu.assume_multiple %add3A_132, 16 : i32
    "tpu.region"() ({
      %run_scoped3A_203 = tpu.sem_alloc : memref<!tpu.dma_semaphore, #tpu.memory_space<semaphore_mem>>
      %dma_start3A_204 = arith.constant 0 : i32
      %dma_start3A_205 = tpu.memref_slice %arg5[%arg0, %multiple_of3A_197, %dma_start3A_204] : memref<2x10000x128xf32, #tpu.memory_space<hbm>> -> memref<1x624x128xf32, #tpu.memory_space<hbm>>
      %dma_start3A_206 = tpu.memref_squeeze %dma_start3A_205 : memref<1x624x128xf32, #tpu.memory_space<hbm>> -> memref<624x128xf32, #tpu.memory_space<hbm>>
      %dma_start3A_207 = arith.constant 0 : i32
      %dma_start3A_208 = tpu.memref_slice %arg9[%multiple_of3A_197, %dma_start3A_207] : memref<10000x128xf32, #tpu.memory_space<vmem_shared>> -> memref<624x128xf32, #tpu.memory_space<vmem_shared>>
      tpu.enqueue_dma source(%dma_start3A_208 : memref<624x128xf32, #tpu.memory_space<vmem_shared>>) target(%dma_start3A_206 : memref<624x128xf32, #tpu.memory_space<hbm>>) target_semaphore(%run_scoped3A_203 : memref<!tpu.dma_semaphore, #tpu.memory_space<semaphore_mem>>)
      %dma_wait3A_209 = arith.constant 0 : i32
      %dma_wait3A_210 = tpu.memref_slice %arg5[%arg0, %multiple_of3A_197, %dma_wait3A_209] : memref<2x10000x128xf32, #tpu.memory_space<hbm>> -> memref<1x624x128xf32, #tpu.memory_space<hbm>>
      %dma_wait3A_211 = tpu.memref_squeeze %dma_wait3A_210 : memref<1x624x128xf32, #tpu.memory_space<hbm>> -> memref<624x128xf32, #tpu.memory_space<hbm>>
      %dma_wait3A_212 = arith.constant 0 : i32
      %dma_wait3A_213 = tpu.memref_slice %arg9[%multiple_of3A_197, %dma_wait3A_212] : memref<10000x128xf32, #tpu.memory_space<vmem_shared>> -> memref<624x128xf32, #tpu.memory_space<vmem_shared>>
      tpu.wait_dma2 semaphore(%run_scoped3A_203 : memref<!tpu.dma_semaphore, #tpu.memory_space<semaphore_mem>>) src(%dma_wait3A_213 : memref<624x128xf32, #tpu.memory_space<vmem_shared>>) dst(%dma_wait3A_211 : memref<624x128xf32, #tpu.memory_space<hbm>>)
      tpu.yield
    }) : () -> ()
    %lt3A_198 = arith.constant 1 : i32
    %lt3A_199 = arith.cmpi slt, %arg1, %lt3A_198 : i32
    %convert_element_type3A_200 = arith.extui %lt3A_199 : i1 to i32
    %cond3A_201 = arith.constant 0 : i32
    %cond3A_202 = arith.cmpi ne, %convert_element_type3A_200, %cond3A_201 : i32
    scf.if %cond3A_202 {
      %add3A_203 = arith.constant 624 : i32
      %add3A_204 = arith.addi %add3A_132, %add3A_203 : i32
      %multiple_of3A_205 = tpu.assume_multiple %add3A_204, 16 : i32
      "tpu.region"() ({
        %run_scoped3A_206 = tpu.sem_alloc : memref<!tpu.dma_semaphore, #tpu.memory_space<semaphore_mem>>
        %dma_start3A_207 = arith.constant 0 : i32
        %dma_start3A_208 = tpu.memref_slice %arg5[%arg0, %multiple_of3A_205, %dma_start3A_207] : memref<2x10000x128xf32, #tpu.memory_space<hbm>> -> memref<1x16x128xf32, #tpu.memory_space<hbm>>
        %dma_start3A_209 = tpu.memref_squeeze %dma_start3A_208 : memref<1x16x128xf32, #tpu.memory_space<hbm>> -> memref<16x128xf32, #tpu.memory_space<hbm>>
        %dma_start3A_210 = arith.constant 0 : i32
        %dma_start3A_211 = tpu.memref_slice %arg9[%multiple_of3A_205, %dma_start3A_210] : memref<10000x128xf32, #tpu.memory_space<vmem_shared>> -> memref<16x128xf32, #tpu.memory_space<vmem_shared>>
        tpu.enqueue_dma source(%dma_start3A_211 : memref<16x128xf32, #tpu.memory_space<vmem_shared>>) target(%dma_start3A_209 : memref<16x128xf32, #tpu.memory_space<hbm>>) target_semaphore(%run_scoped3A_206 : memref<!tpu.dma_semaphore, #tpu.memory_space<semaphore_mem>>)
        %dma_wait3A_212 = arith.constant 0 : i32
        %dma_wait3A_213 = tpu.memref_slice %arg5[%arg0, %multiple_of3A_205, %dma_wait3A_212] : memref<2x10000x128xf32, #tpu.memory_space<hbm>> -> memref<1x16x128xf32, #tpu.memory_space<hbm>>
        %dma_wait3A_214 = tpu.memref_squeeze %dma_wait3A_213 : memref<1x16x128xf32, #tpu.memory_space<hbm>> -> memref<16x128xf32, #tpu.memory_space<hbm>>
        %dma_wait3A_215 = arith.constant 0 : i32
        %dma_wait3A_216 = tpu.memref_slice %arg9[%multiple_of3A_205, %dma_wait3A_215] : memref<10000x128xf32, #tpu.memory_space<vmem_shared>> -> memref<16x128xf32, #tpu.memory_space<vmem_shared>>
        tpu.wait_dma2 semaphore(%run_scoped3A_206 : memref<!tpu.dma_semaphore, #tpu.memory_space<semaphore_mem>>) src(%dma_wait3A_216 : memref<16x128xf32, #tpu.memory_space<vmem_shared>>) dst(%dma_wait3A_214 : memref<16x128xf32, #tpu.memory_space<hbm>>)
        tpu.yield
      }) : () -> ()
    } else {
    }
    return
  }
}

module attributes {stable_mosaic.version = 14 : i64} {
  func.func @_xw_body(%arg0: i32, %arg1: memref<10000x128xf32, #tpu.memory_space<vmem>>, %arg2: memref<128x128xf32, #tpu.memory_space<vmem>>, %arg3: memref<10000x128xf32, #tpu.memory_space<vmem>>) attributes {dimension_semantics = [#tpu.dimension_semantics<arbitrary>], iteration_bounds = array<i64: 1>, scalar_prefetch = 0 : i64, scratch_operands = 0 : i64, tpu.core_type = #tpu.core_type<tc>, window_params = [{transform_indices = @transform_0, window_bounds = array<i64: 10000, 128>}, {pipeline_mode = #tpu.pipeline_mode<synchronous>, transform_indices = @transform_1, window_bounds = array<i64: 128, 128>}, {transform_indices = @transform_2, window_bounds = array<i64: 10000, 128>}]} {
    %get3A = arith.constant 0 : index
    %get3A_0 = arith.constant 0 : index
    %get3A_1 = vector.load %arg1[%get3A, %get3A_0] : memref<10000x128xf32, #tpu.memory_space<vmem>>, vector<10000x128xf32>
    %get3A_2 = arith.constant 0 : index
    %get3A_3 = arith.constant 0 : index
    %get3A_4 = vector.load %arg2[%get3A_2, %get3A_3] : memref<128x128xf32, #tpu.memory_space<vmem>>, vector<128x128xf32>
    %dot_general3A = arith.constant dense<0.000000e+00> : vector<10000x128xf32>
    %dot_general3A_5 = tpu.matmul %get3A_1, %get3A_4, %dot_general3A {dimension_numbers = #tpu.dot_dimension_numbers<[1], [0], [0], [1], [0, 0, 1, 1], [], []>, transpose_lhs_hint = false} : vector<10000x128xf32>, vector<128x128xf32>, vector<10000x128xf32> -> vector<10000x128xf32>
    %swap3A = arith.constant 0 : index
    %swap3A_6 = arith.constant 0 : index
    %swap3A_7 = vector.load %arg3[%swap3A, %swap3A_6] : memref<10000x128xf32, #tpu.memory_space<vmem>>, vector<10000x128xf32>
    tpu.vector_store %arg3[%swap3A, %swap3A_6], %dot_general3A_5 {strides = array<i32>} : memref<10000x128xf32, #tpu.memory_space<vmem>>, vector<10000x128xf32>,
    return
  }
  func.func @transform_0(%arg0: i32) -> (i32, i32) {
    %c0_i32 = arith.constant 0 : i32
    %c0_i32_0 = arith.constant 0 : i32
    return %arg0, %c0_i32 : i32, i32
  }
  func.func @transform_1(%arg0: i32) -> (i32, i32) {
    %c0_i32 = arith.constant 0 : i32
    %c0_i32_0 = arith.constant 0 : i32
    %c0_i32_1 = arith.constant 0 : i32
    return %c0_i32, %c0_i32_0 : i32, i32
  }
  func.func @transform_2(%arg0: i32) -> (i32, i32) {
    %c0_i32 = arith.constant 0 : i32
    %c0_i32_0 = arith.constant 0 : i32
    return %arg0, %c0_i32 : i32, i32
  }
}

module attributes {stable_mosaic.version = 14 : i64} {
  func.func @_scale_body(%arg0: i32, %arg1: memref<10000x128xf32, #tpu.memory_space<vmem>>, %arg2: memref<10000x1xf32, #tpu.memory_space<vmem>>, %arg3: memref<10000x128xf32, #tpu.memory_space<vmem>>) attributes {dimension_semantics = [#tpu.dimension_semantics<arbitrary>], iteration_bounds = array<i64: 1>, scalar_prefetch = 0 : i64, scratch_operands = 0 : i64, tpu.core_type = #tpu.core_type<tc>, window_params = [{transform_indices = @transform_0, window_bounds = array<i64: 10000, 128>}, {transform_indices = @transform_1, window_bounds = array<i64: 10000, 1>}, {transform_indices = @transform_2, window_bounds = array<i64: 10000, 128>}]} {
    %get3A = arith.constant 0 : index
    %get3A_0 = arith.constant 0 : index
    %get3A_1 = vector.load %arg1[%get3A, %get3A_0] : memref<10000x128xf32, #tpu.memory_space<vmem>>, vector<10000x128xf32>
    %get3A_2 = arith.constant 0 : index
    %get3A_3 = arith.constant 0 : index
    %get3A_4 = vector.load %arg2[%get3A_2, %get3A_3] : memref<10000x1xf32, #tpu.memory_space<vmem>>, vector<10000x1xf32>
    %mul3A = vector.broadcast %get3A_4 : vector<10000x1xf32> to vector<10000x128xf32>
    %mul3A_5 = arith.mulf %get3A_1, %mul3A : vector<10000x128xf32>
    %swap3A = arith.constant 0 : index
    %swap3A_6 = arith.constant 0 : index
    %swap3A_7 = vector.load %arg3[%swap3A, %swap3A_6] : memref<10000x128xf32, #tpu.memory_space<vmem>>, vector<10000x128xf32>
    tpu.vector_store %arg3[%swap3A, %swap3A_6], %mul3A_5 {strides = array<i32>} : memref<10000x128xf32, #tpu.memory_space<vmem>>, vector<10000x128xf32>,
    return
  }
  func.func @transform_0(%arg0: i32) -> (i32, i32) {
    %c0_i32 = arith.constant 0 : i32
    %c0_i32_0 = arith.constant 0 : i32
    return %arg0, %c0_i32 : i32, i32
  }
  func.func @transform_1(%arg0: i32) -> (i32, i32) {
    %c0_i32 = arith.constant 0 : i32
    %c0_i32_0 = arith.constant 0 : i32
    return %arg0, %c0_i32 : i32, i32
  }
  func.func @transform_2(%arg0: i32) -> (i32, i32) {
    %c0_i32 = arith.constant 0 : i32
    %c0_i32_0 = arith.constant 0 : i32
    return %arg0, %c0_i32 : i32, i32
  }
}

module attributes {stable_mosaic.version = 14 : i64} {
  func.func @_fin_body(%arg0: i32, %arg1: memref<2x10000x128xf32, #tpu.memory_space<vmem>>, %arg2: memref<10000x128xf32, #tpu.memory_space<vmem>>, %arg3: memref<10000x1xf32, #tpu.memory_space<vmem>>, %arg4: memref<1x128xf32, #tpu.memory_space<vmem>>, %arg5: memref<10000x128xf32, #tpu.memory_space<vmem>>) attributes {dimension_semantics = [#tpu.dimension_semantics<arbitrary>], iteration_bounds = array<i64: 1>, scalar_prefetch = 0 : i64, scratch_operands = 0 : i64, tpu.core_type = #tpu.core_type<tc>, window_params = [{transform_indices = @transform_0, window_bounds = array<i64: 2, 10000, 128>}, {transform_indices = @transform_1, window_bounds = array<i64: 10000, 128>}, {transform_indices = @transform_2, window_bounds = array<i64: 10000, 1>}, {pipeline_mode = #tpu.pipeline_mode<synchronous>, transform_indices = @transform_3, window_bounds = array<i64: 1, 128>}, {transform_indices = @transform_4, window_bounds = array<i64: 10000, 128>}]} {
    %get3A = arith.constant 0 : index
    %get3A_0 = arith.constant 0 : index
    %get3A_1 = arith.constant 0 : index
    %get3A_2 = vector.load %arg1[%get3A, %get3A_0, %get3A_1] : memref<2x10000x128xf32, #tpu.memory_space<vmem>>, vector<1x10000x128xf32>
    %get3A_3 = vector.shape_cast %get3A_2 : vector<1x10000x128xf32> to vector<10000x128xf32>
    %get3A_4 = arith.constant 1 : index
    %get3A_5 = arith.constant 0 : index
    %get3A_6 = arith.constant 0 : index
    %get3A_7 = vector.load %arg1[%get3A_4, %get3A_5, %get3A_6] : memref<2x10000x128xf32, #tpu.memory_space<vmem>>, vector<1x10000x128xf32>
    %get3A_8 = vector.shape_cast %get3A_7 : vector<1x10000x128xf32> to vector<10000x128xf32>
    %add3A = arith.addf %get3A_3, %get3A_8 : vector<10000x128xf32>
    %get3A_9 = arith.constant 0 : index
    %get3A_10 = arith.constant 0 : index
    %get3A_11 = vector.load %arg2[%get3A_9, %get3A_10] : memref<10000x128xf32, #tpu.memory_space<vmem>>, vector<10000x128xf32>
    %add3A_12 = arith.addf %add3A, %get3A_11 : vector<10000x128xf32>
    %get3A_13 = arith.constant 0 : index
    %get3A_14 = arith.constant 0 : index
    %get3A_15 = vector.load %arg3[%get3A_13, %get3A_14] : memref<10000x1xf32, #tpu.memory_space<vmem>>, vector<10000x1xf32>
    %mul3A = vector.broadcast %get3A_15 : vector<10000x1xf32> to vector<10000x128xf32>
    %mul3A_16 = arith.mulf %add3A_12, %mul3A : vector<10000x128xf32>
    %get3A_17 = arith.constant 0 : index
    %get3A_18 = arith.constant 0 : index
    %get3A_19 = vector.load %arg4[%get3A_17, %get3A_18] : memref<1x128xf32, #tpu.memory_space<vmem>>, vector<1x128xf32>
    %add3A_20 = vector.broadcast %get3A_19 : vector<1x128xf32> to vector<10000x128xf32>
    %add3A_21 = arith.addf %mul3A_16, %add3A_20 : vector<10000x128xf32>
    %max3A = arith.constant 0.000000e+00 : f32
    %max3A_22 = vector.broadcast %max3A : f32 to vector<10000x128xf32>
    %max3A_23 = arith.maximumf %add3A_21, %max3A_22 : vector<10000x128xf32>
    %swap3A = arith.constant 0 : index
    %swap3A_24 = arith.constant 0 : index
    %swap3A_25 = vector.load %arg5[%swap3A, %swap3A_24] : memref<10000x128xf32, #tpu.memory_space<vmem>>, vector<10000x128xf32>
    tpu.vector_store %arg5[%swap3A, %swap3A_24], %max3A_23 {strides = array<i32>} : memref<10000x128xf32, #tpu.memory_space<vmem>>, vector<10000x128xf32>,
    return
  }
  func.func @transform_0(%arg0: i32) -> (i32, i32, i32) {
    %c0_i32 = arith.constant 0 : i32
    %c0_i32_0 = arith.constant 0 : i32
    %c0_i32_1 = arith.constant 0 : i32
    return %c0_i32, %arg0, %c0_i32_0 : i32, i32, i32
  }
  func.func @transform_1(%arg0: i32) -> (i32, i32) {
    %c0_i32 = arith.constant 0 : i32
    %c0_i32_0 = arith.constant 0 : i32
    return %arg0, %c0_i32 : i32, i32
  }
  func.func @transform_2(%arg0: i32) -> (i32, i32) {
    %c0_i32 = arith.constant 0 : i32
    %c0_i32_0 = arith.constant 0 : i32
    return %arg0, %c0_i32 : i32, i32
  }
  func.func @transform_3(%arg0: i32) -> (i32, i32) {
    %c0_i32 = arith.constant 0 : i32
    %c0_i32_0 = arith.constant 0 : i32
    %c0_i32_1 = arith.constant 0 : i32
    return %c0_i32, %c0_i32_0 : i32, i32
  }
  func.func @transform_4(%arg0: i32) -> (i32, i32) {
    %c0_i32 = arith.constant 0 : i32
    %c0_i32_0 = arith.constant 0 : i32
    return %arg0, %c0_i32 : i32, i32
  }
}

</mosaic_0001>

<sc_bundles>
// kernel: kernel.10.cloned.1.call-start
scs
__scs_entry_jumppad:
0x0: {  	(pc) =	sbr.rel $0x88, $3  }
0x1: {  	(tag) =	ssettag $0x0;
	lr =	simm.s32 $0x1  }
0x2: {  	[smem:$0x3F9D] =	sst lr;
	_ =	strace $0xD0000000  }
0x3: {  	_ = 	snop  }
0x4: {  	_ = 	snop  }
0x5: {  	_ = 	snop  }
0x6: {  	_ = 	snop  }
0x7: {  	_ = 	snop  }
__scs_overlays_trampoline_lowered:
0x8: {  	[smem:$0x3FAC] =	sst s0  }
0x9: {  	[smem:$0x3FAD] =	sst s1  }
0xa: {  	[smem:$0x3FAE] =	sst s2  }
0xb: {  	[smem:$0x3FAF] =	sst s3  }
0xc: {  	[smem:$0x3FB0] =	sst s4  }
0xd: {  	[smem:$0x3FB1] =	sst s5  }
0xe: {  	[smem:$0x3FB2] =	sst s6  }
0xf: {  	[smem:$0x3FB3] =	sst s7  }
0x10: {  	[smem:$0x3FB4] =	sst s8  }
0x11: {  	[smem:$0x3FB5] =	sst s9;
	s0 =	simm.s32 @!p0 $0x0  }
0x12: {  	s1 =	sld [smem:$0x3F9B];
	s0 =	simm.s32 @p0 $0x1  }
0x13: {  	[smem:$0x3FB6] =	sst s0;
	s0 =	simm.s32 @!p1 $0x0  }
0x14: {  	s2 =	sld [smem:$0x3F9A];
	s0 =	simm.s32 @p1 $0x1  }
0x15: {  	[smem:$0x3FB7] =	sst s0;
	s0 =	simm.s32 @!p2 $0x0  }
0x16: {  	s3 =	sld [smem:$0x3FDB];
	s0 =	simm.s32 @p2 $0x1  }
0x17: {  	s4 =	simm.s32 $0x1BF5;
	[smem:$0x3FB9] =	sst s0  }
0x18: {  	s0 =	sld [smem:$0x3F9C];
	_ =	swait.ge [sflag:s4], $0x0  }
0x19: {  	s7 =	sld [smem:$0x3F9D]  }
0x1a: {  	s8 =	sadd.s32 $0xFFFFE003, lr  }
0x1b: {  	s9 =	sadd.s32 $0xFFFFFEF7, lr;
	s5 =	simm.s32 $0xFFFFFFFF;
	p2 =	slt.u32 s8, $0xFFFFF086  }
0x1c: {  	p1 =	slt.u32 s9, $0xF7A;
	s5 =	simm.s32 @!p2 $0x0  }
0x1d: {  	s5 =	simm.s32 @p1 $0x1;
	p0 =	seq.s32 s7, s2  }
0x1e: {  	s7 =	smul.u32 @!p0 $0xF7A, s2;
	p2 =	seq.s32 @!p0 s5, $0x0  }
0x1f: {  	s9 =	smul.u32 $0xF7A, s1;
	s8 =	simm.s32 @!p0 $0x1BF5;
	p2 =	por !p2, p0  }
0x20: {  	[sflag:s8] =	ssyncset.s32 @!p0 $0xFFFFF086;
	s6 =	sadd.s32 @!p0 s3, s7;
	s7 =	simm.s32 @!p0 $0x108  }
0x21: {  	s3 =	sadd.s32 s3, s9;
	s6 =	sadd.s32 @!p0 $0x88, s6;
	s7 =	simm.s32 @p2 $0x1082  }
0x22: {  	[simem:s7], [sflag:s8] =	dma.local @!p0 [hbm:s6], $0xF7A  }
0x23: {  	s9 =	sor.u32 $0xD0000000, s2;
	s6 =	simm.s32 $0x108;
	_ =	swait.ge @!p0 [sflag:s8], $0x0  }
0x24: {  	s3 =	sadd.s32 $0x88, s3;
	s6 =	simm.s32 @!p1 $0x1082;
	[sflag:s4] =	ssyncset.s32 $0xFFFFF086  }
0x25: {  	[simem:s6], [sflag:s4] =	dma.local [hbm:s3], $0xF7A  }
0x26: {  	[smem:$0x3F9D] =	sst s1;
	(tag) =	ssettag s2;
	_ =	strace s9  }
0x27: {  	s1 =	sld [smem:$0x3FAD]  }
0x28: {  	s2 =	sld [smem:$0x3FAE]  }
0x29: {  	s4 =	sld [smem:$0x3FB0]  }
0x2a: {  	p0 =	seq.s32 s5, $0x0;
	s5 =	sld [smem:$0x3FB1]  }
0x2b: {  	s6 =	sld [smem:$0x3FB2]  }
0x2c: {  	s7 =	sld [smem:$0x3FB3]  }
0x2d: {  	s3 =	simm.s32 $0x108;
	s8 =	sld [smem:$0x3FB4]  }
0x2e: {  	s3 =	simm.s32 @!p0 $0x1082;
	s9 =	sld [smem:$0x3FB5]  }
0x2f: {  	lr =	sadd.s32 s0, s3;
	s0 =	sld [smem:$0x3FAC]  }
0x30: {  	s3 =	sld [smem:$0x3FAF]  }
0x31: {  	[smem:$0x3FB8] =	sst s10  }
0x32: {  	s10 =	sld [smem:$0x3FB6];
	_ =	sdelay $0x3  }
0x33: {  	p0 =	seq.s32 s10, $0x1;
	s10 =	sld [smem:$0x3FB8];
	_ =	sdelay $0x3  }
0x34: {  	[smem:$0x3FB8] =	sst s10  }
0x35: {  	s10 =	sld [smem:$0x3FB7];
	_ =	sdelay $0x3  }
0x36: {  	p1 =	seq.s32 s10, $0x1;
	s10 =	sld [smem:$0x3FB8];
	_ =	sdelay $0x3  }
0x37: {  	[smem:$0x3FB8] =	sst s10  }
0x38: {  	s10 =	sld [smem:$0x3FB9]  }
0x39: {  	_ = 	snop;
	(pc) =	sbr.ind lr, $3  }
0x3a: {  	_ = 	snop  }
0x3b: {  	_ = 	snop  }
0x3c: {  	p2 =	seq.s32 s10, $0x1;
	s10 =	sld [smem:$0x3FB8]  }
0x3d: {  	_ =	shalt  }
0x3e: {  	_ =	shalt  }
0x3f: {  	_ =	shalt  }
0x40: {  	_ =	shalt  }
0x41: {  	_ =	shalt  }
0x42: {  	_ =	shalt  }
0x43: {  	_ =	shalt  }
0x44: {  	_ =	shalt  }
0x45: {  	_ =	shalt  }
0x46: {  	_ =	shalt  }
0x47: {  	_ =	shalt  }
0x48: {  	_ =	shalt  }
0x49: {  	_ =	shalt  }
0x4a: {  	_ =	shalt  }
0x4b: {  	_ =	shalt  }
0x4c: {  	_ =	shalt  }
0x4d: {  	_ =	shalt  }
0x4e: {  	_ =	shalt  }
0x4f: {  	_ =	shalt  }
0x50: {  	_ =	shalt  }
0x51: {  	_ =	shalt  }
0x52: {  	_ =	shalt  }
0x53: {  	_ =	shalt  }
0x54: {  	_ =	shalt  }
0x55: {  	_ =	shalt  }
0x56: {  	_ =	shalt  }
0x57: {  	_ =	shalt  }
0x58: {  	_ =	shalt  }
0x59: {  	_ =	shalt  }
0x5a: {  	_ =	shalt  }
0x5b: {  	_ =	shalt  }
0x5c: {  	_ =	shalt  }
0x5d: {  	_ =	shalt  }
0x5e: {  	_ =	shalt  }
0x5f: {  	_ =	shalt  }
0x60: {  	_ =	shalt  }
0x61: {  	_ =	shalt  }
0x62: {  	_ =	shalt  }
0x63: {  	_ =	shalt  }
0x64: {  	_ =	shalt  }
0x65: {  	_ =	shalt  }
0x66: {  	_ =	shalt  }
0x67: {  	_ =	shalt  }
0x68: {  	_ =	shalt  }
0x69: {  	_ =	shalt  }
0x6a: {  	_ =	shalt  }
0x6b: {  	_ =	shalt  }
0x6c: {  	_ =	shalt  }
0x6d: {  	_ =	shalt  }
0x6e: {  	_ =	shalt  }
0x6f: {  	_ =	shalt  }
0x70: {  	_ =	shalt  }
0x71: {  	_ =	shalt  }
0x72: {  	_ =	shalt  }
0x73: {  	_ =	shalt  }
0x74: {  	_ =	shalt  }
0x75: {  	_ =	shalt  }
0x76: {  	_ =	shalt  }
0x77: {  	_ =	shalt  }
0x78: {  	_ =	shalt  }
0x79: {  	_ =	shalt  }
0x7a: {  	_ =	shalt  }
0x7b: {  	_ =	shalt  }
0x7c: {  	_ =	shalt  }
0x7d: {  	_ =	shalt  }
0x7e: {  	_ =	shalt  }
0x7f: {  	_ =	shalt  }
0x80: {  	_ =	shalt  }
0x81: {  	_ =	shalt  }
0x82: {  	_ =	shalt  }
0x83: {  	_ =	shalt  }
0x84: {  	_ =	shalt  }
0x85: {  	_ =	shalt  }
0x86: {  	_ =	shalt  }
0x87: {  	_ =	shalt  }
.Lfunc_end0:
.L_simem_size_0:
called_computation.1_lowered:
.L_overlay_start_0:
0x88: {  	s2 =	sld [smem:$0x3FD9]  }
0x89: {  	s3 =	sld [smem:$0x3FFE];
	_ =	sdelay $0x1  }
0x8a: {  	s1 =	srdreg.scid  }
0x8b: {  	s0 =	sand.u32 $0x1, s1  }
0x8c: {  	s17 =	sshll.u32 s0, $0xA;
	s2 =	sadd.s32 s3, s2  }
0x8d: {  	s2 =	sadd.s32 s2, s17  }
0x8e: {  	[smem:$0x3FC4] =	sst s2  }
0x8f: {  	_ = 	snop  }
0x90: {  	s2 =	sld [smem:$0x3FD0];
	(tm) =	ssettm $0x1  }
0x91: {  	s18 =	sld [smem:$0x3FFB];
	_ =	sdelay $0x3  }
0x92: {  	_ =	strace s18  }
0x93: {  	s3 =	sld [smem:$0x3FFC];
	_ =	sdelay $0x3  }
0x94: {  	_ =	strace s3  }
0x95: {  	s3 =	sld [smem:$0x3FFD];
	_ =	sdelay $0x3  }
0x96: {  	_ =	strace s3  }
0x97: {  	_ =	strace $0x8FFFFFFF  }
0x98: {  	s19 =	sld [smem:$0x3FDB];
	_ =	sdelay $0x1  }
0x99: {  	s4 =	simm.s32 $_scs_section_size  }
0x9a: {  	s5 =	simm.s32 $_size__tile_overlayer_lowered;
	s6 =	simm.s32 $_tile_overlayer_lowered  }
0x9b: {  	s22 =	simm.s32 $0x1BFF;
	s21 =	sshll.u32 s6, $0x1;
	s3 =	sadd.s32 s4, s19  }
0x9c: {  	s7 =	simm.s32 $0x0;
	s20 =	sshll.u32 s5, $0x1;
	s5 =	sadd.s32 s21, s3  }
0x9d: {  	[timem:s7], [sflag:s22] =	dma.local [hbm:s5], s20  }
0x9e: {  	_ =	swait.ge [sflag:s22], s20  }
0x9f: {  	s4 =	ssub.s32 $0x0, s20;
	[sflag:s22] =	ssyncset.done $0x0  }
0xa0: {  	[sflag:s22] =	ssyncadd.s32 s4;
	_ =	sdelay $0x1  }
0xa1: {  	s23 =	simm.s32 $0x1B8B  }
0xa2: {  	_ =	swait.ge [sflag:s23], $0x1  }
0xa3: {  	[sflag:s23] =	ssyncset.done $0x0  }
0xa4: {  	s25 =	simm.s32 $0x1B8E;
	s24 =	sld [smem:$0x3FFE];
	[sflag:s23] =	ssyncadd.s32 $0xFFFFFFFF  }
0xa5: {  	s26 =	simm.s32 $execute0_lowered;
	[smem:$0x3FD2] =	sst s25  }
0xa6: {  	s5 =	sshll.u32 s26, $0x1;
	_ =	strace $0x80000049;
	[dreg:$0x1] =	wrdreg $0xFFFFFFFF  }
0xa7: {  	s28 =	simm.s32 $_size_execute0_lowered;
	s3 =	sadd.s32 s3, s5;
	[dreg:$0x0] =	wrdreg $0x0  }
0xa8: {  	s5 =	sshll.u32 s28, $0x1;
	[dreg:$0x2] =	wrdreg s3  }
0xa9: {  	[dreg:$0x3] =	wrdreg s5  }
0xaa: {  	[dreg:$0x4] =	wrdreg $0xC0  }
0xab: {  	_ =	task [dreg:s7], $0x5FFFF  }
0xac: {  	[dreg:$0x1] =	wrdreg $0xFFFFFFFF  }
0xad: {  	[dreg:$0x0] =	wrdreg $0x60  }
0xae: {  	[dreg:$0x2] =	wrdreg s24  }
0xaf: {  	[dreg:$0x3] =	wrdreg s2  }
0xb0: {  	[dreg:$0x4] =	wrdreg $0xA4000  }
0xb1: {  	[dreg:$0x5] =	wrdreg $0x9  }
0xb2: {  	_ =	task.clear_ibuf [dreg:s7], $0x6FFFF;
	_ =	strace $0x90000049  }
0xb3: {  	s29 =	simm.s32 $0x9;
	_ =	strace $0x8000004B  }
0xb4: {  	_ =	swait.ge [sflag:s29], $0x1  }
0xb5: {  	[sflag:s29] =	ssyncadd.s32 $0xFFFFFFFF  }
0xb6: {  	_ =	strace $0x9000004B  }
0xb7: {  	_ =	sfence  }
0xb8: {  	s30 =	sld [smem:$0x0];
	_ =	sdelay $0x2  }
0xb9: {  	s31 =	sshll.u32 s1, $0xD;
	s1 =	sshrl.u32 s1, $0x2  }
0xba: {  	s3 =	sand.u32 $0x4000, s31;
	s1 =	sadd.s32 s1, s30  }
0xbb: {  	s0 =	sor.u32 s3, s0;
	s1 =	sshll.u32 s1, $0x11  }
0xbc: {  	s0 =	sor.u32 s1, s0  }
0xbd: {  	s0 =	sadd.s32 $0x8F2B, s0  }
0xbe: {  	[sflag:s0] =	ssyncadd.remote.s32 $0x1  }
0xbf: {  	_ =	sfence.sel $0xFFFF  }
0xc0: {  	[dreg:$0x0] =	wrdreg $0xFFFFFFFF;
	(pc) =	sbr.abs _section_cstart, $3  }
0xc1: {  	[dreg:$0x1] =	wrdreg $0xFFFFFFFF  }
0xc2: {  	_ =	task.clear_ibuf [dreg:s7], $0x2FFFF;
	_ =	strace $0x9FFFFFFF  }
0xc3: {  	(tm) =	ssettm $0x7FFFFFFF  }
tec
execute0_lowered:
.L_overlay_start_1:
0x0: {  	(tag) =	ssettag $0x1  }
0x1: {  	s0 =	rddreg [dreg:$0x0]  }
0x2: {  	s1 =	rddreg [dreg:$0x1]  }
0x3: {  	s2 =	rddreg [dreg:$0x2];
	s3 =	simm.s32 $0x0;
	s6 =	srdreg.scid  }
0x4: {  	s14 =	stileid.u32;
	s11 =	simm.s32 $0x0;
	s28 =	simm.s32 $0x180  }
0x5: {  	s31 =	simm.s32 $0x2;
	s30 =	simm.s32 $0x400;
	s29 =	simm.s32 $0x1  }
0x6: {  	[smem:$0x7FF] =	sst s3;
	s4 =	sadd.s32 $0x1AA00, s0;
	s5 =	sadd.s32 $0xAA00, s0  }
0x7: {  	s6 =	sand.u32 $0x1, s6;
	s9 =	sshll.u32 s14, $0xE;
	s0 =	sadd.s32 $0x2AA00, s0  }
0x8: {  	s18 =	smul.u32 $0x270, s14;
	p0 =	seq.s32 s14, $0x0;
	_ =	strace $0x8000004A  }
0x9: {  	s8 =	ssub.s32 $0x2, s6;
	s7 =	sshll.u32 s6, $0x12;
	s11 =	simm.s32 @!p0 $0x10  }
0xa: {  	s6 =	smul.u32 $0x138800, s6;
	p0 =	sne.s32 s14, $0x0;
	s7 =	sor.u32 s9, s7  }
0xb: {  	s10 =	sshrl.u32 s8, $0x1;
	s9 =	sadd.s32 s18, s11;
	s19 =	sshrl.u32 s7, $0x3  }
0xc: {  	s11 =	simm.s32 $0x0;
	s8 =	ssub.s32 s8, s10;
	s13 =	sadd.s32 s4, s19  }
0xd: {  	s12 =	sor.u32 $0x10, s19;
	s10 =	sadd.s32 s5, s19;
	[dreg:$0x4] =	wrdreg s13  }
0xe: {  	s9 =	sshll.u32 s9, $0x7;
	s20 =	sadd.s32 s4, s12;
	[dreg:$0x7] =	wrdreg s10  }
0xf: {  	s21 =	sadd.s32 $0x20, s13;
	s22 =	sadd.s32 s5, s12;
	[dreg:$0x5] =	wrdreg s20  }
0x10: {  	s13 =	sadd.s32 s9, s2;
	s9 =	sadd.s32 s6, s9;
	[dreg:$0x6] =	wrdreg s21  }
0x11: {  	s6 =	sshrl.u32 s6, $0x3;
	s10 =	simm.s32 $0x4;
	[dreg:$0x8] =	wrdreg s22  }
0x12: {  	s23 =	sadd.s32 $0x2800, s13;
	s24 =	sadd.s32 $0x5000, s13;
	s25 =	sadd.s32 $0x7800, s13  }
0x13: {  	s26 =	sadd.s32 $0xA000, s13;
	s18 =	sadd.s32 $0xC800, s13;
	[dreg:$0x9] =	wrdreg s23  }
0x14: {  	s19 =	sadd.s32 $0xF000, s13;
	s20 =	sadd.s32 $0x11800, s13;
	[dreg:$0xa] =	wrdreg s24  }
.Ltmp0:
0x15: {  	s9 =	sshrl.u32 s9, $0x3;
	[dreg:$0xb] =	wrdreg s25;
	(pc) =	sbr.rel .LBB2_1-.Ltmp0, $4  }
0x16: {  	s6 =	sadd.s32 s0, s6;
	s21 =	sadd.s32 $0x13800, s13;
	[dreg:$0xc] =	wrdreg s26  }
0x17: {  	s22 =	sadd.s32 s0, s9;
	s23 =	sadd.s32 $0x2700, s6;
	s0 =	sadd.s32 $0x13800, s2  }
0x18: {  	s24 =	smax.u32 s8, $0x1;
	s26 =	simm.s32 $0x100;
	s6 =	simm.s32 $0x5  }
0x19: {  	v0 =	vimm.f32 $0.0e+00;
	s9 =	simm.s32 $0x3;
	s25 =	sshrl.u32 @!p0 s0, $0x3;
	s0 =	simm.s32 $0x50  }
.LBB2_7:
0x1a: {  	_ =	swait.ge [sflag:s10], $0x2800  }
0x1b: {  	[sflag:s10] =	ssyncset.done $0x0  }
0x1c: {  	[sflag:s10] =	ssyncadd.s32 $0xFFFFD800  }
0x1d: {  	_ =	swait.ge [sflag:s10], $0x2800  }
0x1e: {  	s8 =	stileid.u32;
	[sflag:s10] =	ssyncset.done $0x0  }
0x1f: {  	s8 =	sshll.u32 s8, $0x6;
	[sflag:s10] =	ssyncadd.s32 $0xFFFFD800  }
0x20: {  	s12 =	sshrl.u32 s13, $0x3;
	s8 =	sor.u32 $0x1C05, s8;
	[bflag:$0x0] =	sbarrier.arrive $0xFFFF  }
0x21: {  	[hbm:s22], [sflag:s8] =	dma.local [spmem:s12], $0x2700  }
0x22: {  	_ =	swait.ge [sflag:s6], $0x2700  }
0x23: {  	s11 =	sadd.s32 $0x1, s11;
	[sflag:s6] =	ssyncset.done $0x0  }
0x24: {  	p1 =	sne.s32 s11, s24;
	[sflag:s6] =	ssyncadd.s32 $0xFFFFD900  }
0x25: {  	[hbm:s23], [sflag:s8] =	dma.local @!p0 [spmem:s25], $0x100  }
.Ltmp1:
0x26: {  	_ = 	snop;
	(pc) =	sbr.rel @!p1 .LBB2_8-.Ltmp1, $4  }
0x27: {  	s8 =	simm.s32 @!p0 $0x5  }
0x28: {  	_ =	swait.ge @!p0 [sflag:s8], $0x100  }
0x29: {  	[sflag:s8] =	ssyncset.done @!p0 $0x0  }
0x2a: {  	[sflag:s8] =	ssyncadd.s32 @!p0 $0xFFFFFF00  }
.LBB2_1:
0x2b: {  	s8 =	rddreg [dreg:$0x4]  }
0x2c: {  	[tilespmem:s26], [sflag:$0x2] =	stream.linear.gather [hbm4b:s8+s3], $0x80, $0x38;
	[tilespmem:$0x1DC80] =	vst v63  }
0x2d: {  	s12 =	rddreg [dreg:$0x5]  }
0x2e: {  	[tilespmem:s28], [sflag:$0x2] =	stream.linear.gather [hbm4b:s12+s3], $0x80, $0x38;
	[tilespmem:$0x1DC80] =	vst v63  }
0x2f: {  	s14 =	rddreg [dreg:$0x6]  }
0x30: {  	[tilespmem:s3], [sflag:$0x2] =	stream.linear.gather [hbm4b:s14+s3], $0x80, $0x38;
	[tilespmem:$0x1DC80] =	vst v63  }
0x31: {  	s15 =	rddreg [dreg:$0x7];
	s12 =	simm.s32 $0x300  }
0x32: {  	[tilespmem:s12], [sflag:$0x3] =	stream.linear.gather [hbm4b:s15+s3], $0x80, $0x38;
	[tilespmem:$0x1DC80] =	vst v63  }
0x33: {  	s16 =	rddreg [dreg:$0x8];
	s17 =	simm.s32 $0x380  }
0x34: {  	[tilespmem:s17], [sflag:$0x3] =	stream.linear.gather [hbm4b:s16+s3], $0x80, $0x38;
	[tilespmem:$0x1DC80] =	vst v63  }
0x35: {  	_ =	swait.ge [sflag:s31], $0x80  }
0x36: {  	[sflag:s31] =	ssyncset.done $0x0  }
0x37: {  	s8 =	simm.s32 $0x40;
	s14 =	simm.s32 $0x5400;
	[sflag:s31] =	ssyncadd.s32 $0xFFFFFF80  }
0x38: {  	[tilespmem:s14], [sflag:$0x1] =	stream.indirect.gather [hbm4b:s1+s0], $0x80, s26, s0, $0xb8;
	[tilespmem:$0x1DC80] =	vst v63  }
0x39: {  	s15 =	simm.s32 $0x7C00;
	s16 =	sand.u32 $0xFE00, s3;
	_ =	swait.ge [sflag:s31], $0x80  }
0x3a: {  	s17 =	sand.u32 $0x70, s3;
	s14 =	sshrl.u32 s16, $0x2;
	[sflag:s31] =	ssyncset.done $0x0  }
0x3b: {  	s12 =	simm.s32 $0x0;
	s14 =	sor.u32 s17, s14;
	[sflag:s31] =	ssyncadd.s32 $0xFFFFFF80  }
0x3c: {  	[tilespmem:s15], [sflag:$0x1] =	stream.indirect.gather [hbm4b:s1+s0], $0x80, s28, s0, $0xb8;
	[tilespmem:$0x1DC80] =	vst v63  }
.LBB2_2:
0x3d: {  	p1 =	sne.s32 s8, $0x9FC0  }
0x3e: {  	[tilespmem:s14+$0x400] =	vst v0;
	s12 =	sadd.s32 $0x10, s12;
	s14 =	smov.u32 s8;
	s8 =	sadd.s32 $0x40, s8  }
.Ltmp2:
0x3f: {  	(pc) =	sbr.rel @p1 .LBB2_2-.Ltmp2, $4  }
0x40: {  	_ = 	snop  }
0x41: {  	s14 =	sand.u32 $0xFE00, s14  }
0x42: {  	s15 =	sand.u32 $0x70, s12;
	s14 =	sshrl.u32 s14, $0x2  }
0x43: {  	s14 =	sor.u32 s15, s14  }
0x44: {  	[tilespmem:s14+$0x400] =	vst v0  }
0x45: {  	[spmem:s13] =	stream.linear.scatter [tilespmem:s30], [sflag:$0x5], $0x2800, $0x38;
	[tilespmem:$0x1DC80] =	vst v63  }
0x46: {  	_ =	swait.ge [sflag:s6], $0x2800  }
0x47: {  	[sflag:s6] =	ssyncset.done $0x0  }
0x48: {  	s8 =	rddreg [dreg:$0x9];
	[sflag:s6] =	ssyncadd.s32 $0xFFFFD800  }
0x49: {  	[spmem:s8] =	stream.linear.scatter [tilespmem:s30], [sflag:$0x5], $0x2800, $0x38;
	[tilespmem:$0x1DC80] =	vst v63  }
0x4a: {  	_ =	swait.ge [sflag:s6], $0x2800  }
0x4b: {  	[sflag:s6] =	ssyncset.done $0x0  }
0x4c: {  	s15 =	rddreg [dreg:$0xa];
	[sflag:s6] =	ssyncadd.s32 $0xFFFFD800  }
0x4d: {  	[spmem:s15] =	stream.linear.scatter [tilespmem:s30], [sflag:$0x5], $0x2800, $0x38;
	[tilespmem:$0x1DC80] =	vst v63  }
0x4e: {  	_ =	swait.ge [sflag:s6], $0x2800  }
0x4f: {  	[sflag:s6] =	ssyncset.done $0x0  }
0x50: {  	s16 =	rddreg [dreg:$0xb];
	[sflag:s6] =	ssyncadd.s32 $0xFFFFD800  }
0x51: {  	[spmem:s16] =	stream.linear.scatter [tilespmem:s30], [sflag:$0x5], $0x2800, $0x38;
	[tilespmem:$0x1DC80] =	vst v63  }
0x52: {  	_ =	swait.ge [sflag:s6], $0x2800  }
0x53: {  	[sflag:s6] =	ssyncset.done $0x0  }
0x54: {  	s17 =	rddreg [dreg:$0xc];
	[sflag:s6] =	ssyncadd.s32 $0xFFFFD800  }
0x55: {  	[spmem:s17] =	stream.linear.scatter [tilespmem:s30], [sflag:$0x5], $0x2800, $0x38;
	[tilespmem:$0x1DC80] =	vst v63  }
0x56: {  	_ =	swait.ge [sflag:s6], $0x2800  }
0x57: {  	[sflag:s6] =	ssyncset.done $0x0  }
0x58: {  	[sflag:s6] =	ssyncadd.s32 $0xFFFFD800  }
0x59: {  	[spmem:s18] =	stream.linear.scatter [tilespmem:s30], [sflag:$0x5], $0x2800, $0x38;
	[tilespmem:$0x1DC80] =	vst v63  }
0x5a: {  	_ =	swait.ge [sflag:s6], $0x2800  }
0x5b: {  	[sflag:s6] =	ssyncset.done $0x0  }
0x5c: {  	[sflag:s6] =	ssyncadd.s32 $0xFFFFD800  }
0x5d: {  	[spmem:s19] =	stream.linear.scatter [tilespmem:s30], [sflag:$0x5], $0x2800, $0x38;
	[tilespmem:$0x1DC80] =	vst v63  }
0x5e: {  	_ =	swait.ge [sflag:s6], $0x2800  }
0x5f: {  	[sflag:s6] =	ssyncset.done $0x0  }
0x60: {  	[sflag:s6] =	ssyncadd.s32 $0xFFFFD800  }
0x61: {  	[spmem:s20] =	stream.linear.scatter [tilespmem:s30], [sflag:$0x5], $0x2000, $0x38;
	[tilespmem:$0x1DC80] =	vst v63  }
0x62: {  	_ =	swait.ge [sflag:s6], $0x2000  }
0x63: {  	[sflag:s6] =	ssyncset.done $0x0  }
0x64: {  	s8 =	simm.s32 @!p0 $0x400;
	[sflag:s6] =	ssyncadd.s32 $0xFFFFE000  }
0x65: {  	[spmem:s21] =	stream.linear.scatter @!p0 [tilespmem:s8], [sflag:$0x5], $0x800, $0x38;
	[tilespmem:$0x1DC80] =	vst v63  }
0x66: {  	s8 =	simm.s32 @!p0 $0x5  }
.Ltmp3:
0x67: {  	_ =	swait.ge @!p0 [sflag:s8], $0x800;
	(pc) =	sbr.rel .LBB2_4-.Ltmp3, $4  }
0x68: {  	[sflag:s8] =	ssyncset.done @!p0 $0x0  }
0x69: {  	[sflag:s8] =	ssyncadd.s32 @!p0 $0xFFFFF800  }
0x6a: {  	[bflag:$0x0] =	sbarrier.arrive $0xFFFF  }
0x6b: {  	s12 =	simm.s32 $0x180;
	s14 =	simm.s32 $0x200;
	s8 =	simm.s32 $0x0  }
.LBB2_6:
0x6c: {  	s15 =	sadd.s32 $0x2, s8  }
0x6d: {  	_ =	swait.ge [sflag:s29], $0x2800;
	s8 =	sadd.s32 $0x1, s8;
	s15 =	sand.u32 $0x3, s15  }
0x6e: {  	[sflag:s29] =	ssyncset.done $0x0;
	p1 =	sne.s32 s8, $0x7D;
	s16 =	smul.u32 $0xA000, s15  }
.Ltmp4:
0x6f: {  	[sflag:s29] =	ssyncadd.s32 $0xFFFFD800;
	(pc) =	sbr.rel @!p1 .LBB2_7-.Ltmp4, $4  }
0x70: {  	s12 =	sadd.s32 $0x80, s12;
	s14 =	sadd.s32 $0x200, s14;
	_ =	swait.ge [sflag:s9], $0x80  }
0x71: {  	s15 =	sshll.u32 s15, $0x7;
	[sflag:s9] =	ssyncset.done $0x0;
	s16 =	sshrl.u32 s16, $0x2  }
0x72: {  	s15 =	sor.u32 $0x200, s15;
	[sflag:s9] =	ssyncadd.s32 $0xFFFFFF80;
	s16 =	sor.u32 $0x400, s16  }
0x73: {  	[spmem:s2] =	stream.indirect.scatter.add.f32 [tilespmem:s16], [sflag:$0x4], $0x80, s15, s0, $0xb8;
	[tilespmem:$0x1DC80] =	vst v63  }
.LBB2_4:
0x74: {  	p1 =	slt.u32 s8, $0x2  }
0x75: {  	p2 =	sgt.u32 @!p1 s8, $0x7A  }
0x76: {  	p2 =	por p1, !p2  }
.Ltmp5:
0x77: {  	_ = 	snop;
	(pc) =	sbr.rel @!p2 .LBB2_6-.Ltmp5, $4  }
0x78: {  	s15 =	simm.s32 @!p1 $0x4  }
0x79: {  	_ =	swait.ge @!p1 [sflag:s15], $0x2800  }
0x7a: {  	[sflag:s15] =	ssyncset.done @!p1 $0x0  }
0x7b: {  	[sflag:s15] =	ssyncadd.s32 @!p1 $0xFFFFD800  }
0x7c: {  	s15 =	sand.u32 $0x3, s8  }
0x7d: {  	s16 =	smul.u32 $0xA000, s15  }
0x7e: {  	_ =	swait.ge [sflag:s31], $0x80  }
0x7f: {  	[sflag:s31] =	ssyncset.done $0x0;
	s16 =	sshrl.u32 s16, $0x2  }
0x80: {  	s15 =	sshll.u32 s15, $0x7;
	[sflag:s31] =	ssyncadd.s32 $0xFFFFFF80;
	s16 =	sor.u32 $0x400, s16  }
0x81: {  	[tilespmem:s16], [sflag:$0x1] =	stream.indirect.gather [hbm4b:s1+s0], $0x80, s15, s0, $0xb8;
	[tilespmem:$0x1DC80] =	vst v63  }
0x82: {  	s16 =	sadd.s32 $0xFFFFFF80, s12  }
0x83: {  	s17 =	sand.u32 $0x7C00, s16  }
0x84: {  	s16 =	sand.u32 $0x380, s16;
	s17 =	sadd.s32 s7, s17  }
0x85: {  	s16 =	sor.u32 s16, s17  }
0x86: {  	s16 =	sshrl.u32 s16, $0x3  }
0x87: {  	p1 =	sgt.u32 s8, $0x79;
	s15 =	sor.u32 $0x200, s15;
	s16 =	sadd.s32 s5, s16  }
0x88: {  	[tilespmem:s15], [sflag:$0x3] =	stream.linear.gather [hbm4b:s16+s3], $0x80, $0x38;
	[tilespmem:$0x1DC80] =	vst v63  }
0x89: {  	s15 =	sand.u32 @!p1 $0x7C00, s12  }
.Ltmp6:
0x8a: {  	s16 =	sand.u32 @!p1 $0x380, s12;
	s15 =	sadd.s32 @!p1 s7, s15;
	(pc) =	sbr.rel .LBB2_6-.Ltmp6, $4  }
0x8b: {  	s15 =	sor.u32 @!p1 s16, s15  }
0x8c: {  	s16 =	sand.u32 @!p1 $0x600, s14;
	s15 =	sshrl.u32 @!p1 s15, $0x3  }
0x8d: {  	s17 =	simm.s32 @!p1 $0x0;
	s16 =	sshrl.u32 @!p1 s16, $0x2;
	s15 =	sadd.s32 @!p1 s4, s15  }
0x8e: {  	[tilespmem:s16], [sflag:$0x2] =	stream.linear.gather @!p1 [hbm4b:s15+s17], $0x80, $0x38;
	[tilespmem:$0x1DC80] =	vst v63  }
.LBB2_8:
0x8f: {  	_ =	sfence.sel $0x180000  }
0x90: {  	[bflag:$0x0] =	sbarrier.arrive $0xFFFF  }
0x91: {  	_ =	strace $0x9000004A  }
0x92: {  	[bflag:$0x2] =	sbarrier.arrive $0xFFFF  }
0x93: {  	s0 =	rddreg [dreg:$0x3]  }
0x94: {  	s0 =	sadd.s32 @!p0 $0x100000, s0  }
0x95: {  	[sflag:s0] =	ssyncadd.tile.s32 @!p0 $0x1;
	_ =	shalt  }
.Lfunc_end2:
_tile_overlayer_lowered:
.L_overlay_start_2:
0x96: {  	(tag) =	ssettag $0x2  }
0x97: {  	s0 =	rddreg [dreg:$0x0];
	s2 =	stileid.u32  }
0x98: {  	s1 =	rddreg [dreg:$0x1];
	p0 =	sne.s32 s2, $0x0  }
0x99: {  	s3 =	rddreg [dreg:$0x2];
	[bflag:$0x3] =	sbarrier.arrive $0xFFFF;
	s2 =	simm.s32 @!p0 $0x1C05  }
0x9a: {  	[timem:s3], [sflag:s2] =	dma.local @!p0 [hbm:s0], s1  }
0x9b: {  	s0 =	simm.s32 @!p0 $0x5  }
0x9c: {  	_ =	swait.ge @!p0 [sflag:s0], s1  }
0x9d: {  	s1 =	ssub.s32 @!p0 $0x0, s1;
	[sflag:s0] =	ssyncset.done @!p0 $0x0  }
0x9e: {  	[sflag:s0] =	ssyncadd.s32 @!p0 s1  }
0x9f: {  	[bflag:$0x3] =	sbarrier.arrive $0xFFFF  }
0xa0: {  	_ =	shalt  }

// kernel: kernel.7.cloned.1.call-start
scs
__scs_entry_jumppad:
0x0: {  	(pc) =	sbr.rel $0x88, $3  }
0x1: {  	(tag) =	ssettag $0x0;
	lr =	simm.s32 $0x1  }
0x2: {  	[smem:$0x3F9D] =	sst lr;
	_ =	strace $0xD0000000  }
0x3: {  	_ = 	snop  }
0x4: {  	_ = 	snop  }
0x5: {  	_ = 	snop  }
0x6: {  	_ = 	snop  }
0x7: {  	_ = 	snop  }
__scs_overlays_trampoline_lowered:
0x8: {  	[smem:$0x3FAC] =	sst s0  }
0x9: {  	[smem:$0x3FAD] =	sst s1  }
0xa: {  	[smem:$0x3FAE] =	sst s2  }
0xb: {  	[smem:$0x3FAF] =	sst s3  }
0xc: {  	[smem:$0x3FB0] =	sst s4  }
0xd: {  	[smem:$0x3FB1] =	sst s5  }
0xe: {  	[smem:$0x3FB2] =	sst s6  }
0xf: {  	[smem:$0x3FB3] =	sst s7  }
0x10: {  	[smem:$0x3FB4] =	sst s8  }
0x11: {  	[smem:$0x3FB5] =	sst s9;
	s0 =	simm.s32 @!p0 $0x0  }
0x12: {  	s1 =	sld [smem:$0x3F9B];
	s0 =	simm.s32 @p0 $0x1  }
0x13: {  	[smem:$0x3FB6] =	sst s0;
	s0 =	simm.s32 @!p1 $0x0  }
0x14: {  	s2 =	sld [smem:$0x3F9A];
	s0 =	simm.s32 @p1 $0x1  }
0x15: {  	[smem:$0x3FB7] =	sst s0;
	s0 =	simm.s32 @!p2 $0x0  }
0x16: {  	s3 =	sld [smem:$0x3FDB];
	s0 =	simm.s32 @p2 $0x1  }
0x17: {  	s4 =	simm.s32 $0x1BF5;
	[smem:$0x3FB9] =	sst s0  }
0x18: {  	s0 =	sld [smem:$0x3F9C];
	_ =	swait.ge [sflag:s4], $0x0  }
0x19: {  	s7 =	sld [smem:$0x3F9D]  }
0x1a: {  	s8 =	sadd.s32 $0xFFFFE003, lr  }
0x1b: {  	s9 =	sadd.s32 $0xFFFFFEF7, lr;
	s5 =	simm.s32 $0xFFFFFFFF;
	p2 =	slt.u32 s8, $0xFFFFF086  }
0x1c: {  	p1 =	slt.u32 s9, $0xF7A;
	s5 =	simm.s32 @!p2 $0x0  }
0x1d: {  	s5 =	simm.s32 @p1 $0x1;
	p0 =	seq.s32 s7, s2  }
0x1e: {  	s7 =	smul.u32 @!p0 $0xF7A, s2;
	p2 =	seq.s32 @!p0 s5, $0x0  }
0x1f: {  	s9 =	smul.u32 $0xF7A, s1;
	s8 =	simm.s32 @!p0 $0x1BF5;
	p2 =	por !p2, p0  }
0x20: {  	[sflag:s8] =	ssyncset.s32 @!p0 $0xFFFFF086;
	s6 =	sadd.s32 @!p0 s3, s7;
	s7 =	simm.s32 @!p0 $0x108  }
0x21: {  	s3 =	sadd.s32 s3, s9;
	s6 =	sadd.s32 @!p0 $0x88, s6;
	s7 =	simm.s32 @p2 $0x1082  }
0x22: {  	[simem:s7], [sflag:s8] =	dma.local @!p0 [hbm:s6], $0xF7A  }
0x23: {  	s9 =	sor.u32 $0xD0000000, s2;
	s6 =	simm.s32 $0x108;
	_ =	swait.ge @!p0 [sflag:s8], $0x0  }
0x24: {  	s3 =	sadd.s32 $0x88, s3;
	s6 =	simm.s32 @!p1 $0x1082;
	[sflag:s4] =	ssyncset.s32 $0xFFFFF086  }
0x25: {  	[simem:s6], [sflag:s4] =	dma.local [hbm:s3], $0xF7A  }
0x26: {  	[smem:$0x3F9D] =	sst s1;
	(tag) =	ssettag s2;
	_ =	strace s9  }
0x27: {  	s1 =	sld [smem:$0x3FAD]  }
0x28: {  	s2 =	sld [smem:$0x3FAE]  }
0x29: {  	s4 =	sld [smem:$0x3FB0]  }
0x2a: {  	p0 =	seq.s32 s5, $0x0;
	s5 =	sld [smem:$0x3FB1]  }
0x2b: {  	s6 =	sld [smem:$0x3FB2]  }
0x2c: {  	s7 =	sld [smem:$0x3FB3]  }
0x2d: {  	s3 =	simm.s32 $0x108;
	s8 =	sld [smem:$0x3FB4]  }
0x2e: {  	s3 =	simm.s32 @!p0 $0x1082;
	s9 =	sld [smem:$0x3FB5]  }
0x2f: {  	lr =	sadd.s32 s0, s3;
	s0 =	sld [smem:$0x3FAC]  }
0x30: {  	s3 =	sld [smem:$0x3FAF]  }
0x31: {  	[smem:$0x3FB8] =	sst s10  }
0x32: {  	s10 =	sld [smem:$0x3FB6];
	_ =	sdelay $0x3  }
0x33: {  	p0 =	seq.s32 s10, $0x1;
	s10 =	sld [smem:$0x3FB8];
	_ =	sdelay $0x3  }
0x34: {  	[smem:$0x3FB8] =	sst s10  }
0x35: {  	s10 =	sld [smem:$0x3FB7];
	_ =	sdelay $0x3  }
0x36: {  	p1 =	seq.s32 s10, $0x1;
	s10 =	sld [smem:$0x3FB8];
	_ =	sdelay $0x3  }
0x37: {  	[smem:$0x3FB8] =	sst s10  }
0x38: {  	s10 =	sld [smem:$0x3FB9]  }
0x39: {  	_ = 	snop;
	(pc) =	sbr.ind lr, $3  }
0x3a: {  	_ = 	snop  }
0x3b: {  	_ = 	snop  }
0x3c: {  	p2 =	seq.s32 s10, $0x1;
	s10 =	sld [smem:$0x3FB8]  }
0x3d: {  	_ =	shalt  }
0x3e: {  	_ =	shalt  }
0x3f: {  	_ =	shalt  }
0x40: {  	_ =	shalt  }
0x41: {  	_ =	shalt  }
0x42: {  	_ =	shalt  }
0x43: {  	_ =	shalt  }
0x44: {  	_ =	shalt  }
0x45: {  	_ =	shalt  }
0x46: {  	_ =	shalt  }
0x47: {  	_ =	shalt  }
0x48: {  	_ =	shalt  }
0x49: {  	_ =	shalt  }
0x4a: {  	_ =	shalt  }
0x4b: {  	_ =	shalt  }
0x4c: {  	_ =	shalt  }
0x4d: {  	_ =	shalt  }
0x4e: {  	_ =	shalt  }
0x4f: {  	_ =	shalt  }
0x50: {  	_ =	shalt  }
0x51: {  	_ =	shalt  }
0x52: {  	_ =	shalt  }
0x53: {  	_ =	shalt  }
0x54: {  	_ =	shalt  }
0x55: {  	_ =	shalt  }
0x56: {  	_ =	shalt  }
0x57: {  	_ =	shalt  }
0x58: {  	_ =	shalt  }
0x59: {  	_ =	shalt  }
0x5a: {  	_ =	shalt  }
0x5b: {  	_ =	shalt  }
0x5c: {  	_ =	shalt  }
0x5d: {  	_ =	shalt  }
0x5e: {  	_ =	shalt  }
0x5f: {  	_ =	shalt  }
0x60: {  	_ =	shalt  }
0x61: {  	_ =	shalt  }
0x62: {  	_ =	shalt  }
0x63: {  	_ =	shalt  }
0x64: {  	_ =	shalt  }
0x65: {  	_ =	shalt  }
0x66: {  	_ =	shalt  }
0x67: {  	_ =	shalt  }
0x68: {  	_ =	shalt  }
0x69: {  	_ =	shalt  }
0x6a: {  	_ =	shalt  }
0x6b: {  	_ =	shalt  }
0x6c: {  	_ =	shalt  }
0x6d: {  	_ =	shalt  }
0x6e: {  	_ =	shalt  }
0x6f: {  	_ =	shalt  }
0x70: {  	_ =	shalt  }
0x71: {  	_ =	shalt  }
0x72: {  	_ =	shalt  }
0x73: {  	_ =	shalt  }
0x74: {  	_ =	shalt  }
0x75: {  	_ =	shalt  }
0x76: {  	_ =	shalt  }
0x77: {  	_ =	shalt  }
0x78: {  	_ =	shalt  }
0x79: {  	_ =	shalt  }
0x7a: {  	_ =	shalt  }
0x7b: {  	_ =	shalt  }
0x7c: {  	_ =	shalt  }
0x7d: {  	_ =	shalt  }
0x7e: {  	_ =	shalt  }
0x7f: {  	_ =	shalt  }
0x80: {  	_ =	shalt  }
0x81: {  	_ =	shalt  }
0x82: {  	_ =	shalt  }
0x83: {  	_ =	shalt  }
0x84: {  	_ =	shalt  }
0x85: {  	_ =	shalt  }
0x86: {  	_ =	shalt  }
0x87: {  	_ =	shalt  }
.Lfunc_end0:
.L_simem_size_0:
called_computation_lowered:
.L_overlay_start_0:
0x88: {  	s2 =	sld [smem:$0x3FD9]  }
0x89: {  	s3 =	sld [smem:$0x3FFE];
	_ =	sdelay $0x1  }
0x8a: {  	s1 =	srdreg.scid  }
0x8b: {  	s0 =	sand.u32 $0x1, s1  }
0x8c: {  	s17 =	sshll.u32 s0, $0xA;
	s2 =	sadd.s32 s3, s2  }
0x8d: {  	s2 =	sadd.s32 s2, s17  }
0x8e: {  	[smem:$0x3FC4] =	sst s2  }
0x8f: {  	_ = 	snop  }
0x90: {  	s2 =	sld [smem:$0x3FD0];
	(tm) =	ssettm $0x1  }
0x91: {  	s18 =	sld [smem:$0x3FFB];
	_ =	sdelay $0x3  }
0x92: {  	_ =	strace s18  }
0x93: {  	s3 =	sld [smem:$0x3FFC];
	_ =	sdelay $0x3  }
0x94: {  	_ =	strace s3  }
0x95: {  	s3 =	sld [smem:$0x3FFD];
	_ =	sdelay $0x3  }
0x96: {  	_ =	strace s3  }
0x97: {  	_ =	strace $0x8FFFFFFF  }
0x98: {  	s19 =	sld [smem:$0x3FDB];
	_ =	sdelay $0x1  }
0x99: {  	s4 =	simm.s32 $_scs_section_size  }
0x9a: {  	s5 =	simm.s32 $_size__tile_overlayer_lowered;
	s6 =	simm.s32 $_tile_overlayer_lowered  }
0x9b: {  	s22 =	simm.s32 $0x1BFF;
	s21 =	sshll.u32 s6, $0x1;
	s3 =	sadd.s32 s4, s19  }
0x9c: {  	s7 =	simm.s32 $0x0;
	s20 =	sshll.u32 s5, $0x1;
	s5 =	sadd.s32 s21, s3  }
0x9d: {  	[timem:s7], [sflag:s22] =	dma.local [hbm:s5], s20  }
0x9e: {  	_ =	swait.ge [sflag:s22], s20  }
0x9f: {  	s4 =	ssub.s32 $0x0, s20;
	[sflag:s22] =	ssyncset.done $0x0  }
0xa0: {  	[sflag:s22] =	ssyncadd.s32 s4;
	_ =	sdelay $0x1  }
0xa1: {  	s23 =	simm.s32 $0x1B8B  }
0xa2: {  	_ =	swait.ge [sflag:s23], $0x1  }
0xa3: {  	[sflag:s23] =	ssyncset.done $0x0  }
0xa4: {  	s25 =	simm.s32 $0x1B8E;
	s24 =	sld [smem:$0x3FFE];
	[sflag:s23] =	ssyncadd.s32 $0xFFFFFFFF  }
0xa5: {  	s26 =	simm.s32 $execute0_lowered;
	[smem:$0x3FD2] =	sst s25  }
0xa6: {  	s5 =	sshll.u32 s26, $0x1;
	_ =	strace $0x80000046;
	[dreg:$0x1] =	wrdreg $0xFFFFFFFF  }
0xa7: {  	s28 =	simm.s32 $_size_execute0_lowered;
	s3 =	sadd.s32 s3, s5;
	[dreg:$0x0] =	wrdreg $0x0  }
0xa8: {  	s5 =	sshll.u32 s28, $0x1;
	[dreg:$0x2] =	wrdreg s3  }
0xa9: {  	[dreg:$0x3] =	wrdreg s5  }
0xaa: {  	[dreg:$0x4] =	wrdreg $0xC0  }
0xab: {  	_ =	task [dreg:s7], $0x5FFFF  }
0xac: {  	[dreg:$0x1] =	wrdreg $0xFFFFFFFF  }
0xad: {  	[dreg:$0x0] =	wrdreg $0x60  }
0xae: {  	[dreg:$0x2] =	wrdreg s2  }
0xaf: {  	[dreg:$0x3] =	wrdreg s24  }
0xb0: {  	[dreg:$0x4] =	wrdreg $0x9  }
0xb1: {  	_ =	task.clear_ibuf [dreg:s7], $0x5FFFF;
	_ =	strace $0x90000046  }
0xb2: {  	s29 =	simm.s32 $0x9;
	_ =	strace $0x80000048  }
0xb3: {  	_ =	swait.ge [sflag:s29], $0x1  }
0xb4: {  	[sflag:s29] =	ssyncadd.s32 $0xFFFFFFFF  }
0xb5: {  	_ =	strace $0x90000048  }
0xb6: {  	_ =	sfence  }
0xb7: {  	s30 =	sld [smem:$0x0];
	_ =	sdelay $0x2  }
0xb8: {  	s31 =	sshll.u32 s1, $0xD;
	s1 =	sshrl.u32 s1, $0x2  }
0xb9: {  	s3 =	sand.u32 $0x4000, s31;
	s1 =	sadd.s32 s1, s30  }
0xba: {  	s0 =	sor.u32 s3, s0;
	s1 =	sshll.u32 s1, $0x11  }
0xbb: {  	s0 =	sor.u32 s1, s0  }
0xbc: {  	s0 =	sadd.s32 $0x8F2B, s0  }
0xbd: {  	[sflag:s0] =	ssyncadd.remote.s32 $0x1  }
0xbe: {  	_ =	sfence.sel $0xFFFF  }
0xbf: {  	[dreg:$0x0] =	wrdreg $0xFFFFFFFF;
	(pc) =	sbr.abs _section_cstart, $3  }
0xc0: {  	[dreg:$0x1] =	wrdreg $0xFFFFFFFF  }
0xc1: {  	_ =	task.clear_ibuf [dreg:s7], $0x2FFFF;
	_ =	strace $0x9FFFFFFF  }
0xc2: {  	(tm) =	ssettm $0x7FFFFFFF  }
0xc3: {  	_ =	shalt  }
tec
execute0_lowered:
.L_overlay_start_1:
0x0: {  	(tag) =	ssettag $0x1  }
0x1: {  	s0 =	srdreg.scid  }
0x2: {  	s3 =	sand.u32 $0x1, s0  }
0x3: {  	s4 =	rddreg [dreg:$0x0];
	s0 =	stileid.u32;
	s1 =	sshll.u32 s3, $0x4  }
0x4: {  	s5 =	rddreg [dreg:$0x1];
	s1 =	sor.u32 s0, s1  }
0x5: {  	s2 =	simm.s32 $0x0;
	s8 =	simm.s32 $0x1;
	s1 =	sshrl.u32 s1, $0x3  }
0x6: {  	s9 =	simm.s32 $0x2780;
	s7 =	sshll.u32 s0, $0x7;
	s6 =	smul.u32 $0x13C00, s1  }
0x7: {  	[smem:$0x7FF] =	sst s2;
	s3 =	ssub.s32 $0x2, s3;
	s7 =	sand.u32 $0x380, s7  }
0x8: {  	s31 =	sshrl.u32 s3, $0x1;
	s1 =	rddreg [dreg:$0x2];
	s6 =	sor.u32 s7, s6  }
0x9: {  	_ =	strace $0x80000047;
	s7 =	ssub.s32 s3, s31;
	s6 =	sshrl.u32 s6, $0x3  }
0xa: {  	s5 =	sadd.s32 s6, s5;
	s3 =	sadd.s32 s4, s6;
	s6 =	simm.s32 $0x80  }
0xb: {  	v0 =	vimm.f32 $0.0e+00;
	v1 =	vimm.f32 $1.000000000e+00;
	s4 =	sadd.s32 $0xC00, s5;
	s5 =	smax.u32 s7, $0x1;
	s7 =	simm.s32 $0x400  }
.LBB2_1:
0xc: {  	s10 =	simm.s32 $0x40;
	s11 =	simm.s32 $0x0  }
.LBB2_2:
0xd: {  	p0 =	sne.s32 s10, $0x9C00;
	[tilespmem:s11+$0x2780] =	vst v0;
	s11 =	smov.u32 s10;
	s10 =	sadd.s32 $0x40, s10  }
.Ltmp0:
0xe: {  	(pc) =	sbr.rel @p0 .LBB2_2-.Ltmp0, $2  }
0xf: {  	_ =	sdelay $0x2  }
0x10: {  	s11 =	sshra.s32 s11, $0x2  }
0x11: {  	[tilespmem:s11+$0x2780] =	vst v0;
	s10 =	simm.s32 $0x0  }
0x12: {  	[tilespmem:s10], [sflag:$0x1] =	stream.strided.gather [hbm4b:s3+s6], $0x2780, s7, s6, $0x38;
	[tilespmem:$0x4F00] =	vst v63  }
0x13: {  	_ =	swait.ge [sflag:s8], $0x2780  }
0x14: {  	[sflag:s8] =	ssyncset.done $0x0  }
0x15: {  	s11 =	simm.s32 $0x0;
	s10 =	simm.s32 $0x40;
	[sflag:s8] =	ssyncadd.s32 $0xFFFFD880  }
.LBB2_4:
0x16: {  	p0 =	sne.s32 s10, $0x9C00;
	v2 =	vld [tilespmem:s11+$0x0];
	_ =	sdelay $0x3  }
.Ltmp1:
0x17: {  	(pc) =	sbr.rel @p0 .LBB2_4-.Ltmp1, $2  }
0x18: {  	_ =	sdelay $0x2  }
0x19: {  	s11 =	sshra.s32 s10, $0x2;
	s10 =	sadd.s32 $0x40, s10;
	[tilespmem:v2+s9+$0x0] =	vst.idx.add.f32.msk $0xffff, v1  }
0x1a: {  	v2 =	vld [tilespmem:s11+$0x0];
	_ =	sdelay $0x5  }
0x1b: {  	s2 =	sadd.s32 $0x1, s2  }
0x1c: {  	p0 =	sne.s32 s2, s5  }
.Ltmp2:
0x1d: {  	[tilespmem:v2+s9+$0x0] =	vst.idx.add.f32.msk $0xffff, v1;
	(pc) =	sbr.rel @p0 .LBB2_1-.Ltmp2, $4  }
0x1e: {  	[hbm4b:s4+s6] =	stream.strided.scatter [tilespmem:s9], [sflag:$0x1], $0x2780, s7, s6, $0x38;
	[tilespmem:$0x4F00] =	vst v63  }
0x1f: {  	_ =	swait.ge [sflag:s8], $0x2780  }
0x20: {  	[sflag:s8] =	ssyncset.done $0x0  }
0x21: {  	[sflag:s8] =	ssyncadd.s32 $0xFFFFD880  }
0x22: {  	_ =	sfence.sel $0x180000  }
0x23: {  	[bflag:$0x0] =	sbarrier.arrive $0xFFFF  }
0x24: {  	p0 =	sne.s32 s0, $0x0;
	_ =	strace $0x90000047  }
0x25: {  	s0 =	sadd.s32 @!p0 $0x100000, s1;
	[bflag:$0x2] =	sbarrier.arrive $0xFFFF  }
0x26: {  	[sflag:s0] =	ssyncadd.tile.s32 @!p0 $0x1;
	_ =	shalt  }
.Lfunc_end2:
_tile_overlayer_lowered:
.L_overlay_start_2:
0x27: {  	(tag) =	ssettag $0x2  }
0x28: {  	s0 =	rddreg [dreg:$0x0];
	s2 =	stileid.u32  }
0x29: {  	s1 =	rddreg [dreg:$0x1];
	p0 =	sne.s32 s2, $0x0  }
0x2a: {  	s3 =	rddreg [dreg:$0x2];
	[bflag:$0x3] =	sbarrier.arrive $0xFFFF;
	s2 =	simm.s32 @!p0 $0x1C01  }
0x2b: {  	[timem:s3], [sflag:s2] =	dma.local @!p0 [hbm:s0], s1  }
0x2c: {  	s0 =	simm.s32 @!p0 $0x1  }
0x2d: {  	_ =	swait.ge @!p0 [sflag:s0], s1  }
0x2e: {  	s1 =	ssub.s32 @!p0 $0x0, s1;
	[sflag:s0] =	ssyncset.done @!p0 $0x0  }
0x2f: {  	[sflag:s0] =	ssyncadd.s32 @!p0 s1  }
0x30: {  	[bflag:$0x3] =	sbarrier.arrive $0xFFFF  }
0x31: {  	_ =	shalt  }

</sc_bundles>
